<compile_context>
chip_gen: v7x
topology: tpu7x:2x2x1
jax: 0.10.2.dev20260603
libtpu: 0.0.44.dev20260713+nightly
codegen_flags: <defaults>
</compile_context>

<pallas_src>
import jax
import jax.numpy as jnp
from jax import lax
from jax.experimental import pallas as pl
from jax.experimental.pallas import tpu as pltpu
from jax.experimental.pallas import tpu_sc as plsc

N_NODES = 10000
N_BATCH = 256
H_NODE = 128
L = 16
NW = 16
ROWS = 640
NQ = ROWS // 128
LAST_OWN = N_NODES - (NW - 1) * ROWS
LAST_BASE = N_NODES - ROWS
LAST_OFF = (NW - 1) * ROWS - LAST_BASE
LAST_NQ = LAST_OWN // 128
TAIL = LAST_OWN - LAST_NQ * 128


def _mol_mean_body(nh_hbm, bidx_hbm, out_hbm,
                   g_v, bidx2, bidx_t, zrow,
                   tmp_s, blk, sh_s, sem):
    s = lax.axis_index("s")
    lane = lax.iota(jnp.int32, L)
    izero = lane * 0
    fzero = lane.astype(jnp.float32) * 0.0
    fone = fzero + 1.0

    is_last = s == (NW - 1)
    base = jnp.where(is_last, LAST_BASE, s * ROWS).astype(jnp.int32)
    own = jnp.where(is_last, (NW - 1) * ROWS, s * ROWS).astype(jnp.int32)

    cp_g = pltpu.async_copy(
        nh_hbm.at[pl.ds(base, ROWS), pl.ds(0, L)], g_v, sem)

    for i in range(L):
        zrow[i, pl.ds(0, L)] = fzero
    for cg in range(H_NODE // L):
        for i in range(L):
            blk[i, pl.ds(cg * L, L)] = fzero

    bs = s * L
    pltpu.sync_copy(zrow, sh_s.at[pl.ds(bs, L)])

    @pl.when(jnp.logical_not(is_last))
    def _():
        cps = [pltpu.async_copy(
            bidx_hbm.at[pl.ds(own + 128 * q, 128)], bidx2.at[q], sem)
            for q in range(NQ)]
        for cp in cps:
            cp.wait()

    @pl.when(is_last)
    def _():
        cps = [pltpu.async_copy(
            bidx_hbm.at[pl.ds(own + 128 * q, 128)], bidx2.at[q], sem)
            for q in range(LAST_NQ)]
        cps.append(pltpu.async_copy(
            bidx_hbm.at[pl.ds(N_NODES - TAIL, TAIL)], bidx_t, sem))
        for cp in cps:
            cp.wait()

    plsc.subcore_barrier()
    cp_g.wait()

    ione = izero + 1
    @pl.when(jnp.logical_not(is_last))
    def _():
        for t in range(ROWS // L):
            plsc.store_scatter(g_v, [t * L + lane, ione], fone)
        cps = [pltpu.async_copy(
            g_v.at[pl.ds(q * 128, 128)], sh_s.at[bidx2.at[q]], sem, add=True)
            for q in range(NQ)]
        for cp in cps:
            cp.wait()

    @pl.when(is_last)
    def _():
        for t in range(LAST_OWN // L):
            plsc.store_scatter(g_v, [LAST_OFF + t * L + lane, ione], fone)
        cps = [pltpu.async_copy(
            g_v.at[pl.ds(LAST_OFF + q * 128, 128)], sh_s.at[bidx2.at[q]],
            sem, add=True)
            for q in range(LAST_NQ)]
        cps.append(pltpu.async_copy(
            g_v.at[pl.ds(LAST_OFF + LAST_NQ * 128, TAIL)], sh_s.at[bidx_t],
            sem, add=True))
        for cp in cps:
            cp.wait()

    plsc.subcore_barrier()

    pltpu.sync_copy(sh_s.at[pl.ds(bs, L)], tmp_s)
    sums = plsc.load_gather(tmp_s, [lane, izero])
    cnts = plsc.load_gather(tmp_s, [lane, ione])
    means = sums / (cnts + 1.0)
    plsc.store_scatter(blk, [lane, izero], means)
    pltpu.sync_copy(blk, out_hbm.at[pl.ds(bs, L)])


def kernel(node_features, edge_features, edges, node_hidden, edge_hidden,
           batch_indices, W1, W2, W3, U1, U2):
    mesh = plsc.VectorSubcoreMesh(
        core_axis_name="c", subcore_axis_name="s", num_cores=1)
    f = pl.kernel(
        _mol_mean_body,
        out_type=jax.ShapeDtypeStruct((N_BATCH, H_NODE), jnp.float32),
        mesh=mesh,
        scratch_types=[
            pltpu.VMEM((ROWS, L), jnp.float32),
            pltpu.VMEM((NQ, 128), jnp.int32),
            pltpu.VMEM((TAIL,), jnp.int32),
            pltpu.VMEM((L, L), jnp.float32),
            pltpu.VMEM((L, L), jnp.float32),
            pltpu.VMEM((L, H_NODE), jnp.float32),
            pltpu.VMEM_SHARED((N_BATCH, L), jnp.float32),
            pltpu.SemaphoreType.DMA,
        ],
        compiler_params=pltpu.CompilerParams(
            needs_layout_passes=False, use_tc_tiling_on_sc=False,
            skip_device_barrier=True),
    )
    return f(node_hidden, batch_indices)

# --- scband reference (transcript-rebuilt; emitter-appended) ---
"""Pipeline reference for scband-encode-mol-layer-89111981457433 (READ-ONLY COPY).

The authoritative reference and input builder live on the scoring server;
editing this copy changes nothing except your own understanding.
"""

import jax, jax.numpy as jnp
import numpy as np

N_NODES = 10000
N_EDGES = 320000
D_FEAT = 128
D_EDGE = 16
H_EDGE = 128
H_NODE = 128
T = 3
N_BATCH = 256


def setup_inputs(seed: int = 0) -> dict:
    key = jax.random.key(seed)
    ks = jax.random.split(key, 11)
    node_features = jax.random.normal(ks[0], (N_NODES, D_FEAT), dtype=jnp.float32)
    edge_features = jax.random.normal(ks[1], (N_EDGES, D_EDGE), dtype=jnp.float32)
    edges = jax.random.randint(ks[2], (2, N_EDGES), 0, N_NODES, dtype=jnp.int32)
    node_hidden = jax.random.normal(ks[3], (N_NODES, H_NODE), dtype=jnp.float32)
    edge_hidden = jax.random.normal(ks[4], (N_EDGES, H_EDGE), dtype=jnp.float32)
    batch_indices = jnp.sort(jax.random.randint(ks[5], (N_NODES,), 0, N_BATCH, dtype=jnp.int32))
    W1 = jax.random.normal(ks[6], (H_EDGE, D_FEAT), dtype=jnp.float32) * 0.05
    W2 = jax.random.normal(ks[7], (H_EDGE, D_EDGE), dtype=jnp.float32) * 0.05
    W3 = jax.random.normal(ks[8], (H_EDGE, H_EDGE), dtype=jnp.float32) * 0.05
    U1 = jax.random.normal(ks[9], (H_NODE, D_FEAT), dtype=jnp.float32) * 0.05
    U2 = jax.random.normal(ks[10], (H_NODE, H_EDGE), dtype=jnp.float32) * 0.05
    return {
        'node_features': node_features,
        'edge_features': edge_features,
        'edges': edges,
        'node_hidden': node_hidden,
        'edge_hidden': edge_hidden,
        'batch_indices': batch_indices,
        'W1': W1, 'W2': W2, 'W3': W3, 'U1': U1, 'U2': U2,
    }


def _scatter_col0_sum(num_rows, num_cols, idx, src):
    # torch.scatter_reduce(zeros(num_rows,num_cols), 0, idx.unsqueeze(1), src, 'sum'):
    # index has shape (E,1), so torch only scatters src[:, 0] into column 0.
    col0 = jax.ops.segment_sum(src[:, 0], idx, num_segments=num_rows)
    return jnp.zeros((num_rows, num_cols), jnp.float32).at[:, 0].set(col0)


def reference(node_features, edge_features, edges, node_hidden, edge_hidden, batch_indices, W1, W2, W3, U1, U2):
    from_nodes = edges[0]
    to_nodes = edges[1]
    num_nodes = node_features.shape[0]
    eh_dim = W1.shape[0]
    # _propagate: the original module never rebinds the `graphs` tuple, so all
    # updated hidden states are computed and then DISCARDED. Replicated faithfully.
    for _ in range(T):
        W1_x_u = (W1 @ node_features.T).T[from_nodes]
        W2_x_uv = (W2 @ edge_features.T).T
        wu_hidden_sum = _scatter_col0_sum(num_nodes, eh_dim, to_nodes, edge_hidden)[from_nodes]
        W3_wu = (W3 @ wu_hidden_sum.T).T
        _uv_hidden = jax.nn.relu(W1_x_u + W2_x_uv + W3_wu)  # discarded, as in torch
    U1_x_u = (U1 @ node_features.T).T
    U2_vu = (U2 @ edge_hidden.T).T
    U2_sum = _scatter_col0_sum(num_nodes, eh_dim, to_nodes, U2_vu)
    _u_hidden = jax.nn.relu(U1_x_u + U2_sum)  # discarded, as in torch
    # Final readout uses the ORIGINAL node_hidden. torch scatter_reduce 'mean'
    # with index shape (N,1) and include_self=True writes only column 0 and
    # divides by (count + 1) because the initial zero is included in the mean.
    num_batches = N_BATCH
    counts = jax.ops.segment_sum(jnp.ones((node_hidden.shape[0],), jnp.float32), batch_indices, num_segments=num_batches)
    col0 = jax.ops.segment_sum(node_hidden[:, 0], batch_indices, num_segments=num_batches)
    mol_repr = jnp.zeros((num_batches, node_hidden.shape[1]), jnp.float32).at[:, 0].set(col0 / (counts + 1.0))
    return mol_repr

if __name__ == "__main__":
    import jax
    _d = setup_inputs()
    print(jax.jit(kernel)(*tuple(_d.values())))

</pallas_src>

<mosaic_0001>
#map = affine_map<(d0, d1) -> (0, 0)>
#map1 = affine_map<(d0, d1) -> (0)>
module attributes {stable_mosaic.version = 14 : i64} {
  func.func @_mol_mean_body(%arg0: i32, %arg1: i32, %arg2: memref<10000x128xf32, #tpu.memory_space<hbm>>, %arg3: memref<10000xi32, #tpu.memory_space<hbm>>, %arg4: memref<256x128xf32, #tpu.memory_space<hbm>>, %arg5: memref<640x16xf32, #tpu.memory_space<vmem>>, %arg6: memref<5x128xi32, #tpu.memory_space<vmem>>, %arg7: memref<16xi32, #tpu.memory_space<vmem>>, %arg8: memref<16x16xf32, #tpu.memory_space<vmem>>, %arg9: memref<16x16xf32, #tpu.memory_space<vmem>>, %arg10: memref<16x128xf32, #tpu.memory_space<vmem>>, %arg11: memref<256x16xf32, #tpu.memory_space<vmem_shared>>, %arg12: memref<!tpu.dma_semaphore, #tpu.memory_space<semaphore_mem>>) attributes {dimension_semantics = [#tpu.dimension_semantics<core_parallel>, #tpu.dimension_semantics<subcore_parallel>], iteration_bounds = array<i64: 1, 16>, scalar_prefetch = 0 : i64, scratch_operands = 8 : i64, tpu.core_type = #tpu.core_type<sc_vector_subcore>, window_params = [{transform_indices = #map}, {transform_indices = #map1}, {transform_indices = #map}]} {
    %iota3A = tpu.iota {dimensions = array<i32: 0>} : vector<16xi32>
    %mul3A = arith.constant 0 : i32
    %mul3A_0 = vector.broadcast %mul3A : i32 to vector<16xi32>
    %mul3A_1 = arith.muli %iota3A, %mul3A_0 : vector<16xi32>
    %convert_element_type3A = arith.sitofp %iota3A : vector<16xi32> to vector<16xf32>
    %mul3A_2 = arith.constant 0.000000e+00 : f32
    %mul3A_3 = vector.broadcast %mul3A_2 : f32 to vector<16xf32>
    %mul3A_4 = arith.mulf %convert_element_type3A, %mul3A_3 : vector<16xf32>
    %add3A = arith.constant 1.000000e+00 : f32
    %add3A_5 = vector.broadcast %add3A : f32 to vector<16xf32>
    %add3A_6 = arith.addf %mul3A_4, %add3A_5 : vector<16xf32>
    %eq3A = arith.constant 15 : i32
    %eq3A_7 = arith.cmpi eq, %arg1, %eq3A : i32
    %mul3A_8 = arith.constant 640 : i32
    %mul3A_9 = arith.muli %arg1, %mul3A_8 : i32
    %jit3A = arith.constant 9360 : i32
    %select_n3A = arith.select %eq3A_7, %jit3A, %mul3A_9 : i32
    %mul3A_10 = arith.constant 640 : i32
    %mul3A_11 = arith.muli %arg1, %mul3A_10 : i32
    %jit3A_12 = arith.constant 9600 : i32
    %select_n3A_13 = arith.select %eq3A_7, %jit3A_12, %mul3A_11 : i32
    %dma_start3A = arith.constant 0 : i32
    %dma_start3A_14 = tpu.memref_slice %arg2[%select_n3A, %dma_start3A] : memref<10000x128xf32, #tpu.memory_space<hbm>> -> memref<640x16xf32, #tpu.memory_space<hbm>>
    %dma_start3A_15 = arith.constant 0 : i32
    %dma_start3A_16 = tpu.memref_slice %arg2[%select_n3A, %dma_start3A_15] : memref<10000x128xf32, #tpu.memory_space<hbm>> -> memref<640x16xf32, #tpu.memory_space<hbm>>
    tpu.enqueue_dma source(%dma_start3A_16 : memref<640x16xf32, #tpu.memory_space<hbm>>) target(%arg5 : memref<640x16xf32, #tpu.memory_space<vmem>>) target_semaphore(%arg12 : memref<!tpu.dma_semaphore, #tpu.memory_space<semaphore_mem>>)
    %swap3A = arith.constant 0 : i32
    %swap3A_17 = arith.index_cast %swap3A : i32 to index
    %swap3A_18 = arith.constant 0 : index
    %swap3A_19 = tpu.vector_load %arg8[%swap3A_17, %swap3A_18] {strides = array<i32>} : memref<16x16xf32, #tpu.memory_space<vmem>>, vector<16xf32>,
    tpu.vector_store %arg8[%swap3A_17, %swap3A_18], %mul3A_4 {strides = array<i32>} : memref<16x16xf32, #tpu.memory_space<vmem>>, vector<16xf32>,
    %swap3A_20 = arith.constant 1 : i32
    %swap3A_21 = arith.index_cast %swap3A_20 : i32 to index
    %swap3A_22 = arith.constant 0 : index
    %swap3A_23 = tpu.vector_load %arg8[%swap3A_21, %swap3A_22] {strides = array<i32>} : memref<16x16xf32, #tpu.memory_space<vmem>>, vector<16xf32>,
    tpu.vector_store %arg8[%swap3A_21, %swap3A_22], %mul3A_4 {strides = array<i32>} : memref<16x16xf32, #tpu.memory_space<vmem>>, vector<16xf32>,
    %swap3A_24 = arith.constant 2 : i32
    %swap3A_25 = arith.index_cast %swap3A_24 : i32 to index
    %swap3A_26 = arith.constant 0 : index
    %swap3A_27 = tpu.vector_load %arg8[%swap3A_25, %swap3A_26] {strides = array<i32>} : memref<16x16xf32, #tpu.memory_space<vmem>>, vector<16xf32>,
    tpu.vector_store %arg8[%swap3A_25, %swap3A_26], %mul3A_4 {strides = array<i32>} : memref<16x16xf32, #tpu.memory_space<vmem>>, vector<16xf32>,
    %swap3A_28 = arith.constant 3 : i32
    %swap3A_29 = arith.index_cast %swap3A_28 : i32 to index
    %swap3A_30 = arith.constant 0 : index
    %swap3A_31 = tpu.vector_load %arg8[%swap3A_29, %swap3A_30] {strides = array<i32>} : memref<16x16xf32, #tpu.memory_space<vmem>>, vector<16xf32>,
    tpu.vector_store %arg8[%swap3A_29, %swap3A_30], %mul3A_4 {strides = array<i32>} : memref<16x16xf32, #tpu.memory_space<vmem>>, vector<16xf32>,
    %swap3A_32 = arith.constant 4 : i32
    %swap3A_33 = arith.index_cast %swap3A_32 : i32 to index
    %swap3A_34 = arith.constant 0 : index
    %swap3A_35 = tpu.vector_load %arg8[%swap3A_33, %swap3A_34] {strides = array<i32>} : memref<16x16xf32, #tpu.memory_space<vmem>>, vector<16xf32>,
    tpu.vector_store %arg8[%swap3A_33, %swap3A_34], %mul3A_4 {strides = array<i32>} : memref<16x16xf32, #tpu.memory_space<vmem>>, vector<16xf32>,
    %swap3A_36 = arith.constant 5 : i32
    %swap3A_37 = arith.index_cast %swap3A_36 : i32 to index
    %swap3A_38 = arith.constant 0 : index
    %swap3A_39 = tpu.vector_load %arg8[%swap3A_37, %swap3A_38] {strides = array<i32>} : memref<16x16xf32, #tpu.memory_space<vmem>>, vector<16xf32>,
    tpu.vector_store %arg8[%swap3A_37, %swap3A_38], %mul3A_4 {strides = array<i32>} : memref<16x16xf32, #tpu.memory_space<vmem>>, vector<16xf32>,
    %swap3A_40 = arith.constant 6 : i32
    %swap3A_41 = arith.index_cast %swap3A_40 : i32 to index
    %swap3A_42 = arith.constant 0 : index
    %swap3A_43 = tpu.vector_load %arg8[%swap3A_41, %swap3A_42] {strides = array<i32>} : memref<16x16xf32, #tpu.memory_space<vmem>>, vector<16xf32>,
    tpu.vector_store %arg8[%swap3A_41, %swap3A_42], %mul3A_4 {strides = array<i32>} : memref<16x16xf32, #tpu.memory_space<vmem>>, vector<16xf32>,
    %swap3A_44 = arith.constant 7 : i32
    %swap3A_45 = arith.index_cast %swap3A_44 : i32 to index
    %swap3A_46 = arith.constant 0 : index
    %swap3A_47 = tpu.vector_load %arg8[%swap3A_45, %swap3A_46] {strides = array<i32>} : memref<16x16xf32, #tpu.memory_space<vmem>>, vector<16xf32>,
    tpu.vector_store %arg8[%swap3A_45, %swap3A_46], %mul3A_4 {strides = array<i32>} : memref<16x16xf32, #tpu.memory_space<vmem>>, vector<16xf32>,
    %swap3A_48 = arith.constant 8 : i32
    %swap3A_49 = arith.index_cast %swap3A_48 : i32 to index
    %swap3A_50 = arith.constant 0 : index
    %swap3A_51 = tpu.vector_load %arg8[%swap3A_49, %swap3A_50] {strides = array<i32>} : memref<16x16xf32, #tpu.memory_space<vmem>>, vector<16xf32>,
    tpu.vector_store %arg8[%swap3A_49, %swap3A_50], %mul3A_4 {strides = array<i32>} : memref<16x16xf32, #tpu.memory_space<vmem>>, vector<16xf32>,
    %swap3A_52 = arith.constant 9 : i32
    %swap3A_53 = arith.index_cast %swap3A_52 : i32 to index
    %swap3A_54 = arith.constant 0 : index
    %swap3A_55 = tpu.vector_load %arg8[%swap3A_53, %swap3A_54] {strides = array<i32>} : memref<16x16xf32, #tpu.memory_space<vmem>>, vector<16xf32>,
    tpu.vector_store %arg8[%swap3A_53, %swap3A_54], %mul3A_4 {strides = array<i32>} : memref<16x16xf32, #tpu.memory_space<vmem>>, vector<16xf32>,
    %swap3A_56 = arith.constant 10 : i32
    %swap3A_57 = arith.index_cast %swap3A_56 : i32 to index
    %swap3A_58 = arith.constant 0 : index
    %swap3A_59 = tpu.vector_load %arg8[%swap3A_57, %swap3A_58] {strides = array<i32>} : memref<16x16xf32, #tpu.memory_space<vmem>>, vector<16xf32>,
    tpu.vector_store %arg8[%swap3A_57, %swap3A_58], %mul3A_4 {strides = array<i32>} : memref<16x16xf32, #tpu.memory_space<vmem>>, vector<16xf32>,
    %swap3A_60 = arith.constant 11 : i32
    %swap3A_61 = arith.index_cast %swap3A_60 : i32 to index
    %swap3A_62 = arith.constant 0 : index
    %swap3A_63 = tpu.vector_load %arg8[%swap3A_61, %swap3A_62] {strides = array<i32>} : memref<16x16xf32, #tpu.memory_space<vmem>>, vector<16xf32>,
    tpu.vector_store %arg8[%swap3A_61, %swap3A_62], %mul3A_4 {strides = array<i32>} : memref<16x16xf32, #tpu.memory_space<vmem>>, vector<16xf32>,
    %swap3A_64 = arith.constant 12 : i32
    %swap3A_65 = arith.index_cast %swap3A_64 : i32 to index
    %swap3A_66 = arith.constant 0 : index
    %swap3A_67 = tpu.vector_load %arg8[%swap3A_65, %swap3A_66] {strides = array<i32>} : memref<16x16xf32, #tpu.memory_space<vmem>>, vector<16xf32>,
    tpu.vector_store %arg8[%swap3A_65, %swap3A_66], %mul3A_4 {strides = array<i32>} : memref<16x16xf32, #tpu.memory_space<vmem>>, vector<16xf32>,
    %swap3A_68 = arith.constant 13 : i32
    %swap3A_69 = arith.index_cast %swap3A_68 : i32 to index
    %swap3A_70 = arith.constant 0 : index
    %swap3A_71 = tpu.vector_load %arg8[%swap3A_69, %swap3A_70] {strides = array<i32>} : memref<16x16xf32, #tpu.memory_space<vmem>>, vector<16xf32>,
    tpu.vector_store %arg8[%swap3A_69, %swap3A_70], %mul3A_4 {strides = array<i32>} : memref<16x16xf32, #tpu.memory_space<vmem>>, vector<16xf32>,
    %swap3A_72 = arith.constant 14 : i32
    %swap3A_73 = arith.index_cast %swap3A_72 : i32 to index
    %swap3A_74 = arith.constant 0 : index
    %swap3A_75 = tpu.vector_load %arg8[%swap3A_73, %swap3A_74] {strides = array<i32>} : memref<16x16xf32, #tpu.memory_space<vmem>>, vector<16xf32>,
    tpu.vector_store %arg8[%swap3A_73, %swap3A_74], %mul3A_4 {strides = array<i32>} : memref<16x16xf32, #tpu.memory_space<vmem>>, vector<16xf32>,
    %swap3A_76 = arith.constant 15 : i32
    %swap3A_77 = arith.index_cast %swap3A_76 : i32 to index
    %swap3A_78 = arith.constant 0 : index
    %swap3A_79 = tpu.vector_load %arg8[%swap3A_77, %swap3A_78] {strides = array<i32>} : memref<16x16xf32, #tpu.memory_space<vmem>>, vector<16xf32>,
    tpu.vector_store %arg8[%swap3A_77, %swap3A_78], %mul3A_4 {strides = array<i32>} : memref<16x16xf32, #tpu.memory_space<vmem>>, vector<16xf32>,
    %swap3A_80 = arith.constant 0 : i32
    %swap3A_81 = arith.index_cast %swap3A_80 : i32 to index
    %swap3A_82 = arith.constant 0 : index
    %swap3A_83 = tpu.vector_load %arg10[%swap3A_81, %swap3A_82] {strides = array<i32>} : memref<16x128xf32, #tpu.memory_space<vmem>>, vector<16xf32>,
    tpu.vector_store %arg10[%swap3A_81, %swap3A_82], %mul3A_4 {strides = array<i32>} : memref<16x128xf32, #tpu.memory_space<vmem>>, vector<16xf32>,
    %swap3A_84 = arith.constant 1 : i32
    %swap3A_85 = arith.index_cast %swap3A_84 : i32 to index
    %swap3A_86 = arith.constant 0 : index
    %swap3A_87 = tpu.vector_load %arg10[%swap3A_85, %swap3A_86] {strides = array<i32>} : memref<16x128xf32, #tpu.memory_space<vmem>>, vector<16xf32>,
    tpu.vector_store %arg10[%swap3A_85, %swap3A_86], %mul3A_4 {strides = array<i32>} : memref<16x128xf32, #tpu.memory_space<vmem>>, vector<16xf32>,
    %swap3A_88 = arith.constant 2 : i32
    %swap3A_89 = arith.index_cast %swap3A_88 : i32 to index
    %swap3A_90 = arith.constant 0 : index
    %swap3A_91 = tpu.vector_load %arg10[%swap3A_89, %swap3A_90] {strides = array<i32>} : memref<16x128xf32, #tpu.memory_space<vmem>>, vector<16xf32>,
    tpu.vector_store %arg10[%swap3A_89, %swap3A_90], %mul3A_4 {strides = array<i32>} : memref<16x128xf32, #tpu.memory_space<vmem>>, vector<16xf32>,
    %swap3A_92 = arith.constant 3 : i32
    %swap3A_93 = arith.index_cast %swap3A_92 : i32 to index
    %swap3A_94 = arith.constant 0 : index
    %swap3A_95 = tpu.vector_load %arg10[%swap3A_93, %swap3A_94] {strides = array<i32>} : memref<16x128xf32, #tpu.memory_space<vmem>>, vector<16xf32>,
    tpu.vector_store %arg10[%swap3A_93, %swap3A_94], %mul3A_4 {strides = array<i32>} : memref<16x128xf32, #tpu.memory_space<vmem>>, vector<16xf32>,
    %swap3A_96 = arith.constant 4 : i32
    %swap3A_97 = arith.index_cast %swap3A_96 : i32 to index
    %swap3A_98 = arith.constant 0 : index
    %swap3A_99 = tpu.vector_load %arg10[%swap3A_97, %swap3A_98] {strides = array<i32>} : memref<16x128xf32, #tpu.memory_space<vmem>>, vector<16xf32>,
    tpu.vector_store %arg10[%swap3A_97, %swap3A_98], %mul3A_4 {strides = array<i32>} : memref<16x128xf32, #tpu.memory_space<vmem>>, vector<16xf32>,
    %swap3A_100 = arith.constant 5 : i32
    %swap3A_101 = arith.index_cast %swap3A_100 : i32 to index
    %swap3A_102 = arith.constant 0 : index
    %swap3A_103 = tpu.vector_load %arg10[%swap3A_101, %swap3A_102] {strides = array<i32>} : memref<16x128xf32, #tpu.memory_space<vmem>>, vector<16xf32>,
    tpu.vector_store %arg10[%swap3A_101, %swap3A_102], %mul3A_4 {strides = array<i32>} : memref<16x128xf32, #tpu.memory_space<vmem>>, vector<16xf32>,
    %swap3A_104 = arith.constant 6 : i32
    %swap3A_105 = arith.index_cast %swap3A_104 : i32 to index
    %swap3A_106 = arith.constant 0 : index
    %swap3A_107 = tpu.vector_load %arg10[%swap3A_105, %swap3A_106] {strides = array<i32>} : memref<16x128xf32, #tpu.memory_space<vmem>>, vector<16xf32>,
    tpu.vector_store %arg10[%swap3A_105, %swap3A_106], %mul3A_4 {strides = array<i32>} : memref<16x128xf32, #tpu.memory_space<vmem>>, vector<16xf32>,
    %swap3A_108 = arith.constant 7 : i32
    %swap3A_109 = arith.index_cast %swap3A_108 : i32 to index
    %swap3A_110 = arith.constant 0 : index
    %swap3A_111 = tpu.vector_load %arg10[%swap3A_109, %swap3A_110] {strides = array<i32>} : memref<16x128xf32, #tpu.memory_space<vmem>>, vector<16xf32>,
    tpu.vector_store %arg10[%swap3A_109, %swap3A_110], %mul3A_4 {strides = array<i32>} : memref<16x128xf32, #tpu.memory_space<vmem>>, vector<16xf32>,
    %swap3A_112 = arith.constant 8 : i32
    %swap3A_113 = arith.index_cast %swap3A_112 : i32 to index
    %swap3A_114 = arith.constant 0 : index
    %swap3A_115 = tpu.vector_load %arg10[%swap3A_113, %swap3A_114] {strides = array<i32>} : memref<16x128xf32, #tpu.memory_space<vmem>>, vector<16xf32>,
    tpu.vector_store %arg10[%swap3A_113, %swap3A_114], %mul3A_4 {strides = array<i32>} : memref<16x128xf32, #tpu.memory_space<vmem>>, vector<16xf32>,
    %swap3A_116 = arith.constant 9 : i32
    %swap3A_117 = arith.index_cast %swap3A_116 : i32 to index
    %swap3A_118 = arith.constant 0 : index
    %swap3A_119 = tpu.vector_load %arg10[%swap3A_117, %swap3A_118] {strides = array<i32>} : memref<16x128xf32, #tpu.memory_space<vmem>>, vector<16xf32>,
    tpu.vector_store %arg10[%swap3A_117, %swap3A_118], %mul3A_4 {strides = array<i32>} : memref<16x128xf32, #tpu.memory_space<vmem>>, vector<16xf32>,
    %swap3A_120 = arith.constant 10 : i32
    %swap3A_121 = arith.index_cast %swap3A_120 : i32 to index
    %swap3A_122 = arith.constant 0 : index
    %swap3A_123 = tpu.vector_load %arg10[%swap3A_121, %swap3A_122] {strides = array<i32>} : memref<16x128xf32, #tpu.memory_space<vmem>>, vector<16xf32>,
    tpu.vector_store %arg10[%swap3A_121, %swap3A_122], %mul3A_4 {strides = array<i32>} : memref<16x128xf32, #tpu.memory_space<vmem>>, vector<16xf32>,
    %swap3A_124 = arith.constant 11 : i32
    %swap3A_125 = arith.index_cast %swap3A_124 : i32 to index
    %swap3A_126 = arith.constant 0 : index
    %swap3A_127 = tpu.vector_load %arg10[%swap3A_125, %swap3A_126] {strides = array<i32>} : memref<16x128xf32, #tpu.memory_space<vmem>>, vector<16xf32>,
    tpu.vector_store %arg10[%swap3A_125, %swap3A_126], %mul3A_4 {strides = array<i32>} : memref<16x128xf32, #tpu.memory_space<vmem>>, vector<16xf32>,
    %swap3A_128 = arith.constant 12 : i32
    %swap3A_129 = arith.index_cast %swap3A_128 : i32 to index
    %swap3A_130 = arith.constant 0 : index
    %swap3A_131 = tpu.vector_load %arg10[%swap3A_129, %swap3A_130] {strides = array<i32>} : memref<16x128xf32, #tpu.memory_space<vmem>>, vector<16xf32>,
    tpu.vector_store %arg10[%swap3A_129, %swap3A_130], %mul3A_4 {strides = array<i32>} : memref<16x128xf32, #tpu.memory_space<vmem>>, vector<16xf32>,
    %swap3A_132 = arith.constant 13 : i32
    %swap3A_133 = arith.index_cast %swap3A_132 : i32 to index
    %swap3A_134 = arith.constant 0 : index
    %swap3A_135 = tpu.vector_load %arg10[%swap3A_133, %swap3A_134] {strides = array<i32>} : memref<16x128xf32, #tpu.memory_space<vmem>>, vector<16xf32>,
    tpu.vector_store %arg10[%swap3A_133, %swap3A_134], %mul3A_4 {strides = array<i32>} : memref<16x128xf32, #tpu.memory_space<vmem>>, vector<16xf32>,
    %swap3A_136 = arith.constant 14 : i32
    %swap3A_137 = arith.index_cast %swap3A_136 : i32 to index
    %swap3A_138 = arith.constant 0 : index
    %swap3A_139 = tpu.vector_load %arg10[%swap3A_137, %swap3A_138] {strides = array<i32>} : memref<16x128xf32, #tpu.memory_space<vmem>>, vector<16xf32>,
    tpu.vector_store %arg10[%swap3A_137, %swap3A_138], %mul3A_4 {strides = array<i32>} : memref<16x128xf32, #tpu.memory_space<vmem>>, vector<16xf32>,
    %swap3A_140 = arith.constant 15 : i32
    %swap3A_141 = arith.index_cast %swap3A_140 : i32 to index
    %swap3A_142 = arith.constant 0 : index
    %swap3A_143 = tpu.vector_load %arg10[%swap3A_141, %swap3A_142] {strides = array<i32>} : memref<16x128xf32, #tpu.memory_space<vmem>>, vector<16xf32>,
    tpu.vector_store %arg10[%swap3A_141, %swap3A_142], %mul3A_4 {strides = array<i32>} : memref<16x128xf32, #tpu.memory_space<vmem>>, vector<16xf32>,
    %swap3A_144 = arith.constant 0 : i32
    %swap3A_145 = arith.index_cast %swap3A_144 : i32 to index
    %swap3A_146 = arith.constant 16 : index
    %swap3A_147 = tpu.vector_load %arg10[%swap3A_145, %swap3A_146] {strides = array<i32>} : memref<16x128xf32, #tpu.memory_space<vmem>>, vector<16xf32>,
    tpu.vector_store %arg10[%swap3A_145, %swap3A_146], %mul3A_4 {strides = array<i32>} : memref<16x128xf32, #tpu.memory_space<vmem>>, vector<16xf32>,
    %swap3A_148 = arith.constant 1 : i32
    %swap3A_149 = arith.index_cast %swap3A_148 : i32 to index
    %swap3A_150 = arith.constant 16 : index
    %swap3A_151 = tpu.vector_load %arg10[%swap3A_149, %swap3A_150] {strides = array<i32>} : memref<16x128xf32, #tpu.memory_space<vmem>>, vector<16xf32>,
    tpu.vector_store %arg10[%swap3A_149, %swap3A_150], %mul3A_4 {strides = array<i32>} : memref<16x128xf32, #tpu.memory_space<vmem>>, vector<16xf32>,
    %swap3A_152 = arith.constant 2 : i32
    %swap3A_153 = arith.index_cast %swap3A_152 : i32 to index
    %swap3A_154 = arith.constant 16 : index
    %swap3A_155 = tpu.vector_load %arg10[%swap3A_153, %swap3A_154] {strides = array<i32>} : memref<16x128xf32, #tpu.memory_space<vmem>>, vector<16xf32>,
    tpu.vector_store %arg10[%swap3A_153, %swap3A_154], %mul3A_4 {strides = array<i32>} : memref<16x128xf32, #tpu.memory_space<vmem>>, vector<16xf32>,
    %swap3A_156 = arith.constant 3 : i32
    %swap3A_157 = arith.index_cast %swap3A_156 : i32 to index
    %swap3A_158 = arith.constant 16 : index
    %swap3A_159 = tpu.vector_load %arg10[%swap3A_157, %swap3A_158] {strides = array<i32>} : memref<16x128xf32, #tpu.memory_space<vmem>>, vector<16xf32>,
    tpu.vector_store %arg10[%swap3A_157, %swap3A_158], %mul3A_4 {strides = array<i32>} : memref<16x128xf32, #tpu.memory_space<vmem>>, vector<16xf32>,
    %swap3A_160 = arith.constant 4 : i32
    %swap3A_161 = arith.index_cast %swap3A_160 : i32 to index
    %swap3A_162 = arith.constant 16 : index
    %swap3A_163 = tpu.vector_load %arg10[%swap3A_161, %swap3A_162] {strides = array<i32>} : memref<16x128xf32, #tpu.memory_space<vmem>>, vector<16xf32>,
    tpu.vector_store %arg10[%swap3A_161, %swap3A_162], %mul3A_4 {strides = array<i32>} : memref<16x128xf32, #tpu.memory_space<vmem>>, vector<16xf32>,
    %swap3A_164 = arith.constant 5 : i32
    %swap3A_165 = arith.index_cast %swap3A_164 : i32 to index
    %swap3A_166 = arith.constant 16 : index
    %swap3A_167 = tpu.vector_load %arg10[%swap3A_165, %swap3A_166] {strides = array<i32>} : memref<16x128xf32, #tpu.memory_space<vmem>>, vector<16xf32>,
    tpu.vector_store %arg10[%swap3A_165, %swap3A_166], %mul3A_4 {strides = array<i32>} : memref<16x128xf32, #tpu.memory_space<vmem>>, vector<16xf32>,
    %swap3A_168 = arith.constant 6 : i32
    %swap3A_169 = arith.index_cast %swap3A_168 : i32 to index
    %swap3A_170 = arith.constant 16 : index
    %swap3A_171 = tpu.vector_load %arg10[%swap3A_169, %swap3A_170] {strides = array<i32>} : memref<16x128xf32, #tpu.memory_space<vmem>>, vector<16xf32>,
    tpu.vector_store %arg10[%swap3A_169, %swap3A_170], %mul3A_4 {strides = array<i32>} : memref<16x128xf32, #tpu.memory_space<vmem>>, vector<16xf32>,
    %swap3A_172 = arith.constant 7 : i32
    %swap3A_173 = arith.index_cast %swap3A_172 : i32 to index
    %swap3A_174 = arith.constant 16 : index
    %swap3A_175 = tpu.vector_load %arg10[%swap3A_173, %swap3A_174] {strides = array<i32>} : memref<16x128xf32, #tpu.memory_space<vmem>>, vector<16xf32>,
    tpu.vector_store %arg10[%swap3A_173, %swap3A_174], %mul3A_4 {strides = array<i32>} : memref<16x128xf32, #tpu.memory_space<vmem>>, vector<16xf32>,
    %swap3A_176 = arith.constant 8 : i32
    %swap3A_177 = arith.index_cast %swap3A_176 : i32 to index
    %swap3A_178 = arith.constant 16 : index
    %swap3A_179 = tpu.vector_load %arg10[%swap3A_177, %swap3A_178] {strides = array<i32>} : memref<16x128xf32, #tpu.memory_space<vmem>>, vector<16xf32>,
    tpu.vector_store %arg10[%swap3A_177, %swap3A_178], %mul3A_4 {strides = array<i32>} : memref<16x128xf32, #tpu.memory_space<vmem>>, vector<16xf32>,
    %swap3A_180 = arith.constant 9 : i32
    %swap3A_181 = arith.index_cast %swap3A_180 : i32 to index
    %swap3A_182 = arith.constant 16 : index
    %swap3A_183 = tpu.vector_load %arg10[%swap3A_181, %swap3A_182] {strides = array<i32>} : memref<16x128xf32, #tpu.memory_space<vmem>>, vector<16xf32>,
    tpu.vector_store %arg10[%swap3A_181, %swap3A_182], %mul3A_4 {strides = array<i32>} : memref<16x128xf32, #tpu.memory_space<vmem>>, vector<16xf32>,
    %swap3A_184 = arith.constant 10 : i32
    %swap3A_185 = arith.index_cast %swap3A_184 : i32 to index
    %swap3A_186 = arith.constant 16 : index
    %swap3A_187 = tpu.vector_load %arg10[%swap3A_185, %swap3A_186] {strides = array<i32>} : memref<16x128xf32, #tpu.memory_space<vmem>>, vector<16xf32>,
    tpu.vector_store %arg10[%swap3A_185, %swap3A_186], %mul3A_4 {strides = array<i32>} : memref<16x128xf32, #tpu.memory_space<vmem>>, vector<16xf32>,
    %swap3A_188 = arith.constant 11 : i32
    %swap3A_189 = arith.index_cast %swap3A_188 : i32 to index
    %swap3A_190 = arith.constant 16 : index
    %swap3A_191 = tpu.vector_load %arg10[%swap3A_189, %swap3A_190] {strides = array<i32>} : memref<16x128xf32, #tpu.memory_space<vmem>>, vector<16xf32>,
    tpu.vector_store %arg10[%swap3A_189, %swap3A_190], %mul3A_4 {strides = array<i32>} : memref<16x128xf32, #tpu.memory_space<vmem>>, vector<16xf32>,
    %swap3A_192 = arith.constant 12 : i32
    %swap3A_193 = arith.index_cast %swap3A_192 : i32 to index
    %swap3A_194 = arith.constant 16 : index
    %swap3A_195 = tpu.vector_load %arg10[%swap3A_193, %swap3A_194] {strides = array<i32>} : memref<16x128xf32, #tpu.memory_space<vmem>>, vector<16xf32>,
    tpu.vector_store %arg10[%swap3A_193, %swap3A_194], %mul3A_4 {strides = array<i32>} : memref<16x128xf32, #tpu.memory_space<vmem>>, vector<16xf32>,
    %swap3A_196 = arith.constant 13 : i32
    %swap3A_197 = arith.index_cast %swap3A_196 : i32 to index
    %swap3A_198 = arith.constant 16 : index
    %swap3A_199 = tpu.vector_load %arg10[%swap3A_197, %swap3A_198] {strides = array<i32>} : memref<16x128xf32, #tpu.memory_space<vmem>>, vector<16xf32>,
    tpu.vector_store %arg10[%swap3A_197, %swap3A_198], %mul3A_4 {strides = array<i32>} : memref<16x128xf32, #tpu.memory_space<vmem>>, vector<16xf32>,
    %swap3A_200 = arith.constant 14 : i32
    %swap3A_201 = arith.index_cast %swap3A_200 : i32 to index
    %swap3A_202 = arith.constant 16 : index
    %swap3A_203 = tpu.vector_load %arg10[%swap3A_201, %swap3A_202] {strides = array<i32>} : memref<16x128xf32, #tpu.memory_space<vmem>>, vector<16xf32>,
    tpu.vector_store %arg10[%swap3A_201, %swap3A_202], %mul3A_4 {strides = array<i32>} : memref<16x128xf32, #tpu.memory_space<vmem>>, vector<16xf32>,
    %swap3A_204 = arith.constant 15 : i32
    %swap3A_205 = arith.index_cast %swap3A_204 : i32 to index
    %swap3A_206 = arith.constant 16 : index
    %swap3A_207 = tpu.vector_load %arg10[%swap3A_205, %swap3A_206] {strides = array<i32>} : memref<16x128xf32, #tpu.memory_space<vmem>>, vector<16xf32>,
    tpu.vector_store %arg10[%swap3A_205, %swap3A_206], %mul3A_4 {strides = array<i32>} : memref<16x128xf32, #tpu.memory_space<vmem>>, vector<16xf32>,
    %swap3A_208 = arith.constant 0 : i32
    %swap3A_209 = arith.index_cast %swap3A_208 : i32 to index
    %swap3A_210 = arith.constant 32 : index
    %swap3A_211 = tpu.vector_load %arg10[%swap3A_209, %swap3A_210] {strides = array<i32>} : memref<16x128xf32, #tpu.memory_space<vmem>>, vector<16xf32>,
    tpu.vector_store %arg10[%swap3A_209, %swap3A_210], %mul3A_4 {strides = array<i32>} : memref<16x128xf32, #tpu.memory_space<vmem>>, vector<16xf32>,
    %swap3A_212 = arith.constant 1 : i32
    %swap3A_213 = arith.index_cast %swap3A_212 : i32 to index
    %swap3A_214 = arith.constant 32 : index
    %swap3A_215 = tpu.vector_load %arg10[%swap3A_213, %swap3A_214] {strides = array<i32>} : memref<16x128xf32, #tpu.memory_space<vmem>>, vector<16xf32>,
    tpu.vector_store %arg10[%swap3A_213, %swap3A_214], %mul3A_4 {strides = array<i32>} : memref<16x128xf32, #tpu.memory_space<vmem>>, vector<16xf32>,
    %swap3A_216 = arith.constant 2 : i32
    %swap3A_217 = arith.index_cast %swap3A_216 : i32 to index
    %swap3A_218 = arith.constant 32 : index
    %swap3A_219 = tpu.vector_load %arg10[%swap3A_217, %swap3A_218] {strides = array<i32>} : memref<16x128xf32, #tpu.memory_space<vmem>>, vector<16xf32>,
    tpu.vector_store %arg10[%swap3A_217, %swap3A_218], %mul3A_4 {strides = array<i32>} : memref<16x128xf32, #tpu.memory_space<vmem>>, vector<16xf32>,
    %swap3A_220 = arith.constant 3 : i32
    %swap3A_221 = arith.index_cast %swap3A_220 : i32 to index
    %swap3A_222 = arith.constant 32 : index
    %swap3A_223 = tpu.vector_load %arg10[%swap3A_221, %swap3A_222] {strides = array<i32>} : memref<16x128xf32, #tpu.memory_space<vmem>>, vector<16xf32>,
    tpu.vector_store %arg10[%swap3A_221, %swap3A_222], %mul3A_4 {strides = array<i32>} : memref<16x128xf32, #tpu.memory_space<vmem>>, vector<16xf32>,
    %swap3A_224 = arith.constant 4 : i32
    %swap3A_225 = arith.index_cast %swap3A_224 : i32 to index
    %swap3A_226 = arith.constant 32 : index
    %swap3A_227 = tpu.vector_load %arg10[%swap3A_225, %swap3A_226] {strides = array<i32>} : memref<16x128xf32, #tpu.memory_space<vmem>>, vector<16xf32>,
    tpu.vector_store %arg10[%swap3A_225, %swap3A_226], %mul3A_4 {strides = array<i32>} : memref<16x128xf32, #tpu.memory_space<vmem>>, vector<16xf32>,
    %swap3A_228 = arith.constant 5 : i32
    %swap3A_229 = arith.index_cast %swap3A_228 : i32 to index
    %swap3A_230 = arith.constant 32 : index
    %swap3A_231 = tpu.vector_load %arg10[%swap3A_229, %swap3A_230] {strides = array<i32>} : memref<16x128xf32, #tpu.memory_space<vmem>>, vector<16xf32>,
    tpu.vector_store %arg10[%swap3A_229, %swap3A_230], %mul3A_4 {strides = array<i32>} : memref<16x128xf32, #tpu.memory_space<vmem>>, vector<16xf32>,
    %swap3A_232 = arith.constant 6 : i32
    %swap3A_233 = arith.index_cast %swap3A_232 : i32 to index
    %swap3A_234 = arith.constant 32 : index
    %swap3A_235 = tpu.vector_load %arg10[%swap3A_233, %swap3A_234] {strides = array<i32>} : memref<16x128xf32, #tpu.memory_space<vmem>>, vector<16xf32>,
    tpu.vector_store %arg10[%swap3A_233, %swap3A_234], %mul3A_4 {strides = array<i32>} : memref<16x128xf32, #tpu.memory_space<vmem>>, vector<16xf32>,
    %swap3A_236 = arith.constant 7 : i32
    %swap3A_237 = arith.index_cast %swap3A_236 : i32 to index
    %swap3A_238 = arith.constant 32 : index
    %swap3A_239 = tpu.vector_load %arg10[%swap3A_237, %swap3A_238] {strides = array<i32>} : memref<16x128xf32, #tpu.memory_space<vmem>>, vector<16xf32>,
    tpu.vector_store %arg10[%swap3A_237, %swap3A_238], %mul3A_4 {strides = array<i32>} : memref<16x128xf32, #tpu.memory_space<vmem>>, vector<16xf32>,
    %swap3A_240 = arith.constant 8 : i32
    %swap3A_241 = arith.index_cast %swap3A_240 : i32 to index
    %swap3A_242 = arith.constant 32 : index
    %swap3A_243 = tpu.vector_load %arg10[%swap3A_241, %swap3A_242] {strides = array<i32>} : memref<16x128xf32, #tpu.memory_space<vmem>>, vector<16xf32>,
    tpu.vector_store %arg10[%swap3A_241, %swap3A_242], %mul3A_4 {strides = array<i32>} : memref<16x128xf32, #tpu.memory_space<vmem>>, vector<16xf32>,
    %swap3A_244 = arith.constant 9 : i32
    %swap3A_245 = arith.index_cast %swap3A_244 : i32 to index
    %swap3A_246 = arith.constant 32 : index
    %swap3A_247 = tpu.vector_load %arg10[%swap3A_245, %swap3A_246] {strides = array<i32>} : memref<16x128xf32, #tpu.memory_space<vmem>>, vector<16xf32>,
    tpu.vector_store %arg10[%swap3A_245, %swap3A_246], %mul3A_4 {strides = array<i32>} : memref<16x128xf32, #tpu.memory_space<vmem>>, vector<16xf32>,
    %swap3A_248 = arith.constant 10 : i32
    %swap3A_249 = arith.index_cast %swap3A_248 : i32 to index
    %swap3A_250 = arith.constant 32 : index
    %swap3A_251 = tpu.vector_load %arg10[%swap3A_249, %swap3A_250] {strides = array<i32>} : memref<16x128xf32, #tpu.memory_space<vmem>>, vector<16xf32>,
    tpu.vector_store %arg10[%swap3A_249, %swap3A_250], %mul3A_4 {strides = array<i32>} : memref<16x128xf32, #tpu.memory_space<vmem>>, vector<16xf32>,
    %swap3A_252 = arith.constant 11 : i32
    %swap3A_253 = arith.index_cast %swap3A_252 : i32 to index
    %swap3A_254 = arith.constant 32 : index
    %swap3A_255 = tpu.vector_load %arg10[%swap3A_253, %swap3A_254] {strides = array<i32>} : memref<16x128xf32, #tpu.memory_space<vmem>>, vector<16xf32>,
    tpu.vector_store %arg10[%swap3A_253, %swap3A_254], %mul3A_4 {strides = array<i32>} : memref<16x128xf32, #tpu.memory_space<vmem>>, vector<16xf32>,
    %swap3A_256 = arith.constant 12 : i32
    %swap3A_257 = arith.index_cast %swap3A_256 : i32 to index
    %swap3A_258 = arith.constant 32 : index
    %swap3A_259 = tpu.vector_load %arg10[%swap3A_257, %swap3A_258] {strides = array<i32>} : memref<16x128xf32, #tpu.memory_space<vmem>>, vector<16xf32>,
    tpu.vector_store %arg10[%swap3A_257, %swap3A_258], %mul3A_4 {strides = array<i32>} : memref<16x128xf32, #tpu.memory_space<vmem>>, vector<16xf32>,
    %swap3A_260 = arith.constant 13 : i32
    %swap3A_261 = arith.index_cast %swap3A_260 : i32 to index
    %swap3A_262 = arith.constant 32 : index
    %swap3A_263 = tpu.vector_load %arg10[%swap3A_261, %swap3A_262] {strides = array<i32>} : memref<16x128xf32, #tpu.memory_space<vmem>>, vector<16xf32>,
    tpu.vector_store %arg10[%swap3A_261, %swap3A_262], %mul3A_4 {strides = array<i32>} : memref<16x128xf32, #tpu.memory_space<vmem>>, vector<16xf32>,
    %swap3A_264 = arith.constant 14 : i32
    %swap3A_265 = arith.index_cast %swap3A_264 : i32 to index
    %swap3A_266 = arith.constant 32 : index
    %swap3A_267 = tpu.vector_load %arg10[%swap3A_265, %swap3A_266] {strides = array<i32>} : memref<16x128xf32, #tpu.memory_space<vmem>>, vector<16xf32>,
    tpu.vector_store %arg10[%swap3A_265, %swap3A_266], %mul3A_4 {strides = array<i32>} : memref<16x128xf32, #tpu.memory_space<vmem>>, vector<16xf32>,
    %swap3A_268 = arith.constant 15 : i32
    %swap3A_269 = arith.index_cast %swap3A_268 : i32 to index
    %swap3A_270 = arith.constant 32 : index
    %swap3A_271 = tpu.vector_load %arg10[%swap3A_269, %swap3A_270] {strides = array<i32>} : memref<16x128xf32, #tpu.memory_space<vmem>>, vector<16xf32>,
    tpu.vector_store %arg10[%swap3A_269, %swap3A_270], %mul3A_4 {strides = array<i32>} : memref<16x128xf32, #tpu.memory_space<vmem>>, vector<16xf32>,
    %swap3A_272 = arith.constant 0 : i32
    %swap3A_273 = arith.index_cast %swap3A_272 : i32 to index
    %swap3A_274 = arith.constant 48 : index
    %swap3A_275 = tpu.vector_load %arg10[%swap3A_273, %swap3A_274] {strides = array<i32>} : memref<16x128xf32, #tpu.memory_space<vmem>>, vector<16xf32>,
    tpu.vector_store %arg10[%swap3A_273, %swap3A_274], %mul3A_4 {strides = array<i32>} : memref<16x128xf32, #tpu.memory_space<vmem>>, vector<16xf32>,
    %swap3A_276 = arith.constant 1 : i32
    %swap3A_277 = arith.index_cast %swap3A_276 : i32 to index
    %swap3A_278 = arith.constant 48 : index
    %swap3A_279 = tpu.vector_load %arg10[%swap3A_277, %swap3A_278] {strides = array<i32>} : memref<16x128xf32, #tpu.memory_space<vmem>>, vector<16xf32>,
    tpu.vector_store %arg10[%swap3A_277, %swap3A_278], %mul3A_4 {strides = array<i32>} : memref<16x128xf32, #tpu.memory_space<vmem>>, vector<16xf32>,
    %swap3A_280 = arith.constant 2 : i32
    %swap3A_281 = arith.index_cast %swap3A_280 : i32 to index
    %swap3A_282 = arith.constant 48 : index
    %swap3A_283 = tpu.vector_load %arg10[%swap3A_281, %swap3A_282] {strides = array<i32>} : memref<16x128xf32, #tpu.memory_space<vmem>>, vector<16xf32>,
    tpu.vector_store %arg10[%swap3A_281, %swap3A_282], %mul3A_4 {strides = array<i32>} : memref<16x128xf32, #tpu.memory_space<vmem>>, vector<16xf32>,
    %swap3A_284 = arith.constant 3 : i32
    %swap3A_285 = arith.index_cast %swap3A_284 : i32 to index
    %swap3A_286 = arith.constant 48 : index
    %swap3A_287 = tpu.vector_load %arg10[%swap3A_285, %swap3A_286] {strides = array<i32>} : memref<16x128xf32, #tpu.memory_space<vmem>>, vector<16xf32>,
    tpu.vector_store %arg10[%swap3A_285, %swap3A_286], %mul3A_4 {strides = array<i32>} : memref<16x128xf32, #tpu.memory_space<vmem>>, vector<16xf32>,
    %swap3A_288 = arith.constant 4 : i32
    %swap3A_289 = arith.index_cast %swap3A_288 : i32 to index
    %swap3A_290 = arith.constant 48 : index
    %swap3A_291 = tpu.vector_load %arg10[%swap3A_289, %swap3A_290] {strides = array<i32>} : memref<16x128xf32, #tpu.memory_space<vmem>>, vector<16xf32>,
    tpu.vector_store %arg10[%swap3A_289, %swap3A_290], %mul3A_4 {strides = array<i32>} : memref<16x128xf32, #tpu.memory_space<vmem>>, vector<16xf32>,
    %swap3A_292 = arith.constant 5 : i32
    %swap3A_293 = arith.index_cast %swap3A_292 : i32 to index
    %swap3A_294 = arith.constant 48 : index
    %swap3A_295 = tpu.vector_load %arg10[%swap3A_293, %swap3A_294] {strides = array<i32>} : memref<16x128xf32, #tpu.memory_space<vmem>>, vector<16xf32>,
    tpu.vector_store %arg10[%swap3A_293, %swap3A_294], %mul3A_4 {strides = array<i32>} : memref<16x128xf32, #tpu.memory_space<vmem>>, vector<16xf32>,
    %swap3A_296 = arith.constant 6 : i32
    %swap3A_297 = arith.index_cast %swap3A_296 : i32 to index
    %swap3A_298 = arith.constant 48 : index
    %swap3A_299 = tpu.vector_load %arg10[%swap3A_297, %swap3A_298] {strides = array<i32>} : memref<16x128xf32, #tpu.memory_space<vmem>>, vector<16xf32>,
    tpu.vector_store %arg10[%swap3A_297, %swap3A_298], %mul3A_4 {strides = array<i32>} : memref<16x128xf32, #tpu.memory_space<vmem>>, vector<16xf32>,
    %swap3A_300 = arith.constant 7 : i32
    %swap3A_301 = arith.index_cast %swap3A_300 : i32 to index
    %swap3A_302 = arith.constant 48 : index
    %swap3A_303 = tpu.vector_load %arg10[%swap3A_301, %swap3A_302] {strides = array<i32>} : memref<16x128xf32, #tpu.memory_space<vmem>>, vector<16xf32>,
    tpu.vector_store %arg10[%swap3A_301, %swap3A_302], %mul3A_4 {strides = array<i32>} : memref<16x128xf32, #tpu.memory_space<vmem>>, vector<16xf32>,
    %swap3A_304 = arith.constant 8 : i32
    %swap3A_305 = arith.index_cast %swap3A_304 : i32 to index
    %swap3A_306 = arith.constant 48 : index
    %swap3A_307 = tpu.vector_load %arg10[%swap3A_305, %swap3A_306] {strides = array<i32>} : memref<16x128xf32, #tpu.memory_space<vmem>>, vector<16xf32>,
    tpu.vector_store %arg10[%swap3A_305, %swap3A_306], %mul3A_4 {strides = array<i32>} : memref<16x128xf32, #tpu.memory_space<vmem>>, vector<16xf32>,
    %swap3A_308 = arith.constant 9 : i32
    %swap3A_309 = arith.index_cast %swap3A_308 : i32 to index
    %swap3A_310 = arith.constant 48 : index
    %swap3A_311 = tpu.vector_load %arg10[%swap3A_309, %swap3A_310] {strides = array<i32>} : memref<16x128xf32, #tpu.memory_space<vmem>>, vector<16xf32>,
    tpu.vector_store %arg10[%swap3A_309, %swap3A_310], %mul3A_4 {strides = array<i32>} : memref<16x128xf32, #tpu.memory_space<vmem>>, vector<16xf32>,
    %swap3A_312 = arith.constant 10 : i32
    %swap3A_313 = arith.index_cast %swap3A_312 : i32 to index
    %swap3A_314 = arith.constant 48 : index
    %swap3A_315 = tpu.vector_load %arg10[%swap3A_313, %swap3A_314] {strides = array<i32>} : memref<16x128xf32, #tpu.memory_space<vmem>>, vector<16xf32>,
    tpu.vector_store %arg10[%swap3A_313, %swap3A_314], %mul3A_4 {strides = array<i32>} : memref<16x128xf32, #tpu.memory_space<vmem>>, vector<16xf32>,
    %swap3A_316 = arith.constant 11 : i32
    %swap3A_317 = arith.index_cast %swap3A_316 : i32 to index
    %swap3A_318 = arith.constant 48 : index
    %swap3A_319 = tpu.vector_load %arg10[%swap3A_317, %swap3A_318] {strides = array<i32>} : memref<16x128xf32, #tpu.memory_space<vmem>>, vector<16xf32>,
    tpu.vector_store %arg10[%swap3A_317, %swap3A_318], %mul3A_4 {strides = array<i32>} : memref<16x128xf32, #tpu.memory_space<vmem>>, vector<16xf32>,
    %swap3A_320 = arith.constant 12 : i32
    %swap3A_321 = arith.index_cast %swap3A_320 : i32 to index
    %swap3A_322 = arith.constant 48 : index
    %swap3A_323 = tpu.vector_load %arg10[%swap3A_321, %swap3A_322] {strides = array<i32>} : memref<16x128xf32, #tpu.memory_space<vmem>>, vector<16xf32>,
    tpu.vector_store %arg10[%swap3A_321, %swap3A_322], %mul3A_4 {strides = array<i32>} : memref<16x128xf32, #tpu.memory_space<vmem>>, vector<16xf32>,
    %swap3A_324 = arith.constant 13 : i32
    %swap3A_325 = arith.index_cast %swap3A_324 : i32 to index
    %swap3A_326 = arith.constant 48 : index
    %swap3A_327 = tpu.vector_load %arg10[%swap3A_325, %swap3A_326] {strides = array<i32>} : memref<16x128xf32, #tpu.memory_space<vmem>>, vector<16xf32>,
    tpu.vector_store %arg10[%swap3A_325, %swap3A_326], %mul3A_4 {strides = array<i32>} : memref<16x128xf32, #tpu.memory_space<vmem>>, vector<16xf32>,
    %swap3A_328 = arith.constant 14 : i32
    %swap3A_329 = arith.index_cast %swap3A_328 : i32 to index
    %swap3A_330 = arith.constant 48 : index
    %swap3A_331 = tpu.vector_load %arg10[%swap3A_329, %swap3A_330] {strides = array<i32>} : memref<16x128xf32, #tpu.memory_space<vmem>>, vector<16xf32>,
    tpu.vector_store %arg10[%swap3A_329, %swap3A_330], %mul3A_4 {strides = array<i32>} : memref<16x128xf32, #tpu.memory_space<vmem>>, vector<16xf32>,
    %swap3A_332 = arith.constant 15 : i32
    %swap3A_333 = arith.index_cast %swap3A_332 : i32 to index
    %swap3A_334 = arith.constant 48 : index
    %swap3A_335 = tpu.vector_load %arg10[%swap3A_333, %swap3A_334] {strides = array<i32>} : memref<16x128xf32, #tpu.memory_space<vmem>>, vector<16xf32>,
    tpu.vector_store %arg10[%swap3A_333, %swap3A_334], %mul3A_4 {strides = array<i32>} : memref<16x128xf32, #tpu.memory_space<vmem>>, vector<16xf32>,
    %swap3A_336 = arith.constant 0 : i32
    %swap3A_337 = arith.index_cast %swap3A_336 : i32 to index
    %swap3A_338 = arith.constant 64 : index
    %swap3A_339 = tpu.vector_load %arg10[%swap3A_337, %swap3A_338] {strides = array<i32>} : memref<16x128xf32, #tpu.memory_space<vmem>>, vector<16xf32>,
    tpu.vector_store %arg10[%swap3A_337, %swap3A_338], %mul3A_4 {strides = array<i32>} : memref<16x128xf32, #tpu.memory_space<vmem>>, vector<16xf32>,
    %swap3A_340 = arith.constant 1 : i32
    %swap3A_341 = arith.index_cast %swap3A_340 : i32 to index
    %swap3A_342 = arith.constant 64 : index
    %swap3A_343 = tpu.vector_load %arg10[%swap3A_341, %swap3A_342] {strides = array<i32>} : memref<16x128xf32, #tpu.memory_space<vmem>>, vector<16xf32>,
    tpu.vector_store %arg10[%swap3A_341, %swap3A_342], %mul3A_4 {strides = array<i32>} : memref<16x128xf32, #tpu.memory_space<vmem>>, vector<16xf32>,
    %swap3A_344 = arith.constant 2 : i32
    %swap3A_345 = arith.index_cast %swap3A_344 : i32 to index
    %swap3A_346 = arith.constant 64 : index
    %swap3A_347 = tpu.vector_load %arg10[%swap3A_345, %swap3A_346] {strides = array<i32>} : memref<16x128xf32, #tpu.memory_space<vmem>>, vector<16xf32>,
    tpu.vector_store %arg10[%swap3A_345, %swap3A_346], %mul3A_4 {strides = array<i32>} : memref<16x128xf32, #tpu.memory_space<vmem>>, vector<16xf32>,
    %swap3A_348 = arith.constant 3 : i32
    %swap3A_349 = arith.index_cast %swap3A_348 : i32 to index
    %swap3A_350 = arith.constant 64 : index
    %swap3A_351 = tpu.vector_load %arg10[%swap3A_349, %swap3A_350] {strides = array<i32>} : memref<16x128xf32, #tpu.memory_space<vmem>>, vector<16xf32>,
    tpu.vector_store %arg10[%swap3A_349, %swap3A_350], %mul3A_4 {strides = array<i32>} : memref<16x128xf32, #tpu.memory_space<vmem>>, vector<16xf32>,
    %swap3A_352 = arith.constant 4 : i32
    %swap3A_353 = arith.index_cast %swap3A_352 : i32 to index
    %swap3A_354 = arith.constant 64 : index
    %swap3A_355 = tpu.vector_load %arg10[%swap3A_353, %swap3A_354] {strides = array<i32>} : memref<16x128xf32, #tpu.memory_space<vmem>>, vector<16xf32>,
    tpu.vector_store %arg10[%swap3A_353, %swap3A_354], %mul3A_4 {strides = array<i32>} : memref<16x128xf32, #tpu.memory_space<vmem>>, vector<16xf32>,
    %swap3A_356 = arith.constant 5 : i32
    %swap3A_357 = arith.index_cast %swap3A_356 : i32 to index
    %swap3A_358 = arith.constant 64 : index
    %swap3A_359 = tpu.vector_load %arg10[%swap3A_357, %swap3A_358] {strides = array<i32>} : memref<16x128xf32, #tpu.memory_space<vmem>>, vector<16xf32>,
    tpu.vector_store %arg10[%swap3A_357, %swap3A_358], %mul3A_4 {strides = array<i32>} : memref<16x128xf32, #tpu.memory_space<vmem>>, vector<16xf32>,
    %swap3A_360 = arith.constant 6 : i32
    %swap3A_361 = arith.index_cast %swap3A_360 : i32 to index
    %swap3A_362 = arith.constant 64 : index
    %swap3A_363 = tpu.vector_load %arg10[%swap3A_361, %swap3A_362] {strides = array<i32>} : memref<16x128xf32, #tpu.memory_space<vmem>>, vector<16xf32>,
    tpu.vector_store %arg10[%swap3A_361, %swap3A_362], %mul3A_4 {strides = array<i32>} : memref<16x128xf32, #tpu.memory_space<vmem>>, vector<16xf32>,
    %swap3A_364 = arith.constant 7 : i32
    %swap3A_365 = arith.index_cast %swap3A_364 : i32 to index
    %swap3A_366 = arith.constant 64 : index
    %swap3A_367 = tpu.vector_load %arg10[%swap3A_365, %swap3A_366] {strides = array<i32>} : memref<16x128xf32, #tpu.memory_space<vmem>>, vector<16xf32>,
    tpu.vector_store %arg10[%swap3A_365, %swap3A_366], %mul3A_4 {strides = array<i32>} : memref<16x128xf32, #tpu.memory_space<vmem>>, vector<16xf32>,
    %swap3A_368 = arith.constant 8 : i32
    %swap3A_369 = arith.index_cast %swap3A_368 : i32 to index
    %swap3A_370 = arith.constant 64 : index
    %swap3A_371 = tpu.vector_load %arg10[%swap3A_369, %swap3A_370] {strides = array<i32>} : memref<16x128xf32, #tpu.memory_space<vmem>>, vector<16xf32>,
    tpu.vector_store %arg10[%swap3A_369, %swap3A_370], %mul3A_4 {strides = array<i32>} : memref<16x128xf32, #tpu.memory_space<vmem>>, vector<16xf32>,
    %swap3A_372 = arith.constant 9 : i32
    %swap3A_373 = arith.index_cast %swap3A_372 : i32 to index
    %swap3A_374 = arith.constant 64 : index
    %swap3A_375 = tpu.vector_load %arg10[%swap3A_373, %swap3A_374] {strides = array<i32>} : memref<16x128xf32, #tpu.memory_space<vmem>>, vector<16xf32>,
    tpu.vector_store %arg10[%swap3A_373, %swap3A_374], %mul3A_4 {strides = array<i32>} : memref<16x128xf32, #tpu.memory_space<vmem>>, vector<16xf32>,
    %swap3A_376 = arith.constant 10 : i32
    %swap3A_377 = arith.index_cast %swap3A_376 : i32 to index
    %swap3A_378 = arith.constant 64 : index
    %swap3A_379 = tpu.vector_load %arg10[%swap3A_377, %swap3A_378] {strides = array<i32>} : memref<16x128xf32, #tpu.memory_space<vmem>>, vector<16xf32>,
    tpu.vector_store %arg10[%swap3A_377, %swap3A_378], %mul3A_4 {strides = array<i32>} : memref<16x128xf32, #tpu.memory_space<vmem>>, vector<16xf32>,
    %swap3A_380 = arith.constant 11 : i32
    %swap3A_381 = arith.index_cast %swap3A_380 : i32 to index
    %swap3A_382 = arith.constant 64 : index
    %swap3A_383 = tpu.vector_load %arg10[%swap3A_381, %swap3A_382] {strides = array<i32>} : memref<16x128xf32, #tpu.memory_space<vmem>>, vector<16xf32>,
    tpu.vector_store %arg10[%swap3A_381, %swap3A_382], %mul3A_4 {strides = array<i32>} : memref<16x128xf32, #tpu.memory_space<vmem>>, vector<16xf32>,
    %swap3A_384 = arith.constant 12 : i32
    %swap3A_385 = arith.index_cast %swap3A_384 : i32 to index
    %swap3A_386 = arith.constant 64 : index
    %swap3A_387 = tpu.vector_load %arg10[%swap3A_385, %swap3A_386] {strides = array<i32>} : memref<16x128xf32, #tpu.memory_space<vmem>>, vector<16xf32>,
    tpu.vector_store %arg10[%swap3A_385, %swap3A_386], %mul3A_4 {strides = array<i32>} : memref<16x128xf32, #tpu.memory_space<vmem>>, vector<16xf32>,
    %swap3A_388 = arith.constant 13 : i32
    %swap3A_389 = arith.index_cast %swap3A_388 : i32 to index
    %swap3A_390 = arith.constant 64 : index
    %swap3A_391 = tpu.vector_load %arg10[%swap3A_389, %swap3A_390] {strides = array<i32>} : memref<16x128xf32, #tpu.memory_space<vmem>>, vector<16xf32>,
    tpu.vector_store %arg10[%swap3A_389, %swap3A_390], %mul3A_4 {strides = array<i32>} : memref<16x128xf32, #tpu.memory_space<vmem>>, vector<16xf32>,
    %swap3A_392 = arith.constant 14 : i32
    %swap3A_393 = arith.index_cast %swap3A_392 : i32 to index
    %swap3A_394 = arith.constant 64 : index
    %swap3A_395 = tpu.vector_load %arg10[%swap3A_393, %swap3A_394] {strides = array<i32>} : memref<16x128xf32, #tpu.memory_space<vmem>>, vector<16xf32>,
    tpu.vector_store %arg10[%swap3A_393, %swap3A_394], %mul3A_4 {strides = array<i32>} : memref<16x128xf32, #tpu.memory_space<vmem>>, vector<16xf32>,
    %swap3A_396 = arith.constant 15 : i32
    %swap3A_397 = arith.index_cast %swap3A_396 : i32 to index
    %swap3A_398 = arith.constant 64 : index
    %swap3A_399 = tpu.vector_load %arg10[%swap3A_397, %swap3A_398] {strides = array<i32>} : memref<16x128xf32, #tpu.memory_space<vmem>>, vector<16xf32>,
    tpu.vector_store %arg10[%swap3A_397, %swap3A_398], %mul3A_4 {strides = array<i32>} : memref<16x128xf32, #tpu.memory_space<vmem>>, vector<16xf32>,
    %swap3A_400 = arith.constant 0 : i32
    %swap3A_401 = arith.index_cast %swap3A_400 : i32 to index
    %swap3A_402 = arith.constant 80 : index
    %swap3A_403 = tpu.vector_load %arg10[%swap3A_401, %swap3A_402] {strides = array<i32>} : memref<16x128xf32, #tpu.memory_space<vmem>>, vector<16xf32>,
    tpu.vector_store %arg10[%swap3A_401, %swap3A_402], %mul3A_4 {strides = array<i32>} : memref<16x128xf32, #tpu.memory_space<vmem>>, vector<16xf32>,
    %swap3A_404 = arith.constant 1 : i32
    %swap3A_405 = arith.index_cast %swap3A_404 : i32 to index
    %swap3A_406 = arith.constant 80 : index
    %swap3A_407 = tpu.vector_load %arg10[%swap3A_405, %swap3A_406] {strides = array<i32>} : memref<16x128xf32, #tpu.memory_space<vmem>>, vector<16xf32>,
    tpu.vector_store %arg10[%swap3A_405, %swap3A_406], %mul3A_4 {strides = array<i32>} : memref<16x128xf32, #tpu.memory_space<vmem>>, vector<16xf32>,
    %swap3A_408 = arith.constant 2 : i32
    %swap3A_409 = arith.index_cast %swap3A_408 : i32 to index
    %swap3A_410 = arith.constant 80 : index
    %swap3A_411 = tpu.vector_load %arg10[%swap3A_409, %swap3A_410] {strides = array<i32>} : memref<16x128xf32, #tpu.memory_space<vmem>>, vector<16xf32>,
    tpu.vector_store %arg10[%swap3A_409, %swap3A_410], %mul3A_4 {strides = array<i32>} : memref<16x128xf32, #tpu.memory_space<vmem>>, vector<16xf32>,
    %swap3A_412 = arith.constant 3 : i32
    %swap3A_413 = arith.index_cast %swap3A_412 : i32 to index
    %swap3A_414 = arith.constant 80 : index
    %swap3A_415 = tpu.vector_load %arg10[%swap3A_413, %swap3A_414] {strides = array<i32>} : memref<16x128xf32, #tpu.memory_space<vmem>>, vector<16xf32>,
    tpu.vector_store %arg10[%swap3A_413, %swap3A_414], %mul3A_4 {strides = array<i32>} : memref<16x128xf32, #tpu.memory_space<vmem>>, vector<16xf32>,
    %swap3A_416 = arith.constant 4 : i32
    %swap3A_417 = arith.index_cast %swap3A_416 : i32 to index
    %swap3A_418 = arith.constant 80 : index
    %swap3A_419 = tpu.vector_load %arg10[%swap3A_417, %swap3A_418] {strides = array<i32>} : memref<16x128xf32, #tpu.memory_space<vmem>>, vector<16xf32>,
    tpu.vector_store %arg10[%swap3A_417, %swap3A_418], %mul3A_4 {strides = array<i32>} : memref<16x128xf32, #tpu.memory_space<vmem>>, vector<16xf32>,
    %swap3A_420 = arith.constant 5 : i32
    %swap3A_421 = arith.index_cast %swap3A_420 : i32 to index
    %swap3A_422 = arith.constant 80 : index
    %swap3A_423 = tpu.vector_load %arg10[%swap3A_421, %swap3A_422] {strides = array<i32>} : memref<16x128xf32, #tpu.memory_space<vmem>>, vector<16xf32>,
    tpu.vector_store %arg10[%swap3A_421, %swap3A_422], %mul3A_4 {strides = array<i32>} : memref<16x128xf32, #tpu.memory_space<vmem>>, vector<16xf32>,
    %swap3A_424 = arith.constant 6 : i32
    %swap3A_425 = arith.index_cast %swap3A_424 : i32 to index
    %swap3A_426 = arith.constant 80 : index
    %swap3A_427 = tpu.vector_load %arg10[%swap3A_425, %swap3A_426] {strides = array<i32>} : memref<16x128xf32, #tpu.memory_space<vmem>>, vector<16xf32>,
    tpu.vector_store %arg10[%swap3A_425, %swap3A_426], %mul3A_4 {strides = array<i32>} : memref<16x128xf32, #tpu.memory_space<vmem>>, vector<16xf32>,
    %swap3A_428 = arith.constant 7 : i32
    %swap3A_429 = arith.index_cast %swap3A_428 : i32 to index
    %swap3A_430 = arith.constant 80 : index
    %swap3A_431 = tpu.vector_load %arg10[%swap3A_429, %swap3A_430] {strides = array<i32>} : memref<16x128xf32, #tpu.memory_space<vmem>>, vector<16xf32>,
    tpu.vector_store %arg10[%swap3A_429, %swap3A_430], %mul3A_4 {strides = array<i32>} : memref<16x128xf32, #tpu.memory_space<vmem>>, vector<16xf32>,
    %swap3A_432 = arith.constant 8 : i32
    %swap3A_433 = arith.index_cast %swap3A_432 : i32 to index
    %swap3A_434 = arith.constant 80 : index
    %swap3A_435 = tpu.vector_load %arg10[%swap3A_433, %swap3A_434] {strides = array<i32>} : memref<16x128xf32, #tpu.memory_space<vmem>>, vector<16xf32>,
    tpu.vector_store %arg10[%swap3A_433, %swap3A_434], %mul3A_4 {strides = array<i32>} : memref<16x128xf32, #tpu.memory_space<vmem>>, vector<16xf32>,
    %swap3A_436 = arith.constant 9 : i32
    %swap3A_437 = arith.index_cast %swap3A_436 : i32 to index
    %swap3A_438 = arith.constant 80 : index
    %swap3A_439 = tpu.vector_load %arg10[%swap3A_437, %swap3A_438] {strides = array<i32>} : memref<16x128xf32, #tpu.memory_space<vmem>>, vector<16xf32>,
    tpu.vector_store %arg10[%swap3A_437, %swap3A_438], %mul3A_4 {strides = array<i32>} : memref<16x128xf32, #tpu.memory_space<vmem>>, vector<16xf32>,
    %swap3A_440 = arith.constant 10 : i32
    %swap3A_441 = arith.index_cast %swap3A_440 : i32 to index
    %swap3A_442 = arith.constant 80 : index
    %swap3A_443 = tpu.vector_load %arg10[%swap3A_441, %swap3A_442] {strides = array<i32>} : memref<16x128xf32, #tpu.memory_space<vmem>>, vector<16xf32>,
    tpu.vector_store %arg10[%swap3A_441, %swap3A_442], %mul3A_4 {strides = array<i32>} : memref<16x128xf32, #tpu.memory_space<vmem>>, vector<16xf32>,
    %swap3A_444 = arith.constant 11 : i32
    %swap3A_445 = arith.index_cast %swap3A_444 : i32 to index
    %swap3A_446 = arith.constant 80 : index
    %swap3A_447 = tpu.vector_load %arg10[%swap3A_445, %swap3A_446] {strides = array<i32>} : memref<16x128xf32, #tpu.memory_space<vmem>>, vector<16xf32>,
    tpu.vector_store %arg10[%swap3A_445, %swap3A_446], %mul3A_4 {strides = array<i32>} : memref<16x128xf32, #tpu.memory_space<vmem>>, vector<16xf32>,
    %swap3A_448 = arith.constant 12 : i32
    %swap3A_449 = arith.index_cast %swap3A_448 : i32 to index
    %swap3A_450 = arith.constant 80 : index
    %swap3A_451 = tpu.vector_load %arg10[%swap3A_449, %swap3A_450] {strides = array<i32>} : memref<16x128xf32, #tpu.memory_space<vmem>>, vector<16xf32>,
    tpu.vector_store %arg10[%swap3A_449, %swap3A_450], %mul3A_4 {strides = array<i32>} : memref<16x128xf32, #tpu.memory_space<vmem>>, vector<16xf32>,
    %swap3A_452 = arith.constant 13 : i32
    %swap3A_453 = arith.index_cast %swap3A_452 : i32 to index
    %swap3A_454 = arith.constant 80 : index
    %swap3A_455 = tpu.vector_load %arg10[%swap3A_453, %swap3A_454] {strides = array<i32>} : memref<16x128xf32, #tpu.memory_space<vmem>>, vector<16xf32>,
    tpu.vector_store %arg10[%swap3A_453, %swap3A_454], %mul3A_4 {strides = array<i32>} : memref<16x128xf32, #tpu.memory_space<vmem>>, vector<16xf32>,
    %swap3A_456 = arith.constant 14 : i32
    %swap3A_457 = arith.index_cast %swap3A_456 : i32 to index
    %swap3A_458 = arith.constant 80 : index
    %swap3A_459 = tpu.vector_load %arg10[%swap3A_457, %swap3A_458] {strides = array<i32>} : memref<16x128xf32, #tpu.memory_space<vmem>>, vector<16xf32>,
    tpu.vector_store %arg10[%swap3A_457, %swap3A_458], %mul3A_4 {strides = array<i32>} : memref<16x128xf32, #tpu.memory_space<vmem>>, vector<16xf32>,
    %swap3A_460 = arith.constant 15 : i32
    %swap3A_461 = arith.index_cast %swap3A_460 : i32 to index
    %swap3A_462 = arith.constant 80 : index
    %swap3A_463 = tpu.vector_load %arg10[%swap3A_461, %swap3A_462] {strides = array<i32>} : memref<16x128xf32, #tpu.memory_space<vmem>>, vector<16xf32>,
    tpu.vector_store %arg10[%swap3A_461, %swap3A_462], %mul3A_4 {strides = array<i32>} : memref<16x128xf32, #tpu.memory_space<vmem>>, vector<16xf32>,
    %swap3A_464 = arith.constant 0 : i32
    %swap3A_465 = arith.index_cast %swap3A_464 : i32 to index
    %swap3A_466 = arith.constant 96 : index
    %swap3A_467 = tpu.vector_load %arg10[%swap3A_465, %swap3A_466] {strides = array<i32>} : memref<16x128xf32, #tpu.memory_space<vmem>>, vector<16xf32>,
    tpu.vector_store %arg10[%swap3A_465, %swap3A_466], %mul3A_4 {strides = array<i32>} : memref<16x128xf32, #tpu.memory_space<vmem>>, vector<16xf32>,
    %swap3A_468 = arith.constant 1 : i32
    %swap3A_469 = arith.index_cast %swap3A_468 : i32 to index
    %swap3A_470 = arith.constant 96 : index
    %swap3A_471 = tpu.vector_load %arg10[%swap3A_469, %swap3A_470] {strides = array<i32>} : memref<16x128xf32, #tpu.memory_space<vmem>>, vector<16xf32>,
    tpu.vector_store %arg10[%swap3A_469, %swap3A_470], %mul3A_4 {strides = array<i32>} : memref<16x128xf32, #tpu.memory_space<vmem>>, vector<16xf32>,
    %swap3A_472 = arith.constant 2 : i32
    %swap3A_473 = arith.index_cast %swap3A_472 : i32 to index
    %swap3A_474 = arith.constant 96 : index
    %swap3A_475 = tpu.vector_load %arg10[%swap3A_473, %swap3A_474] {strides = array<i32>} : memref<16x128xf32, #tpu.memory_space<vmem>>, vector<16xf32>,
    tpu.vector_store %arg10[%swap3A_473, %swap3A_474], %mul3A_4 {strides = array<i32>} : memref<16x128xf32, #tpu.memory_space<vmem>>, vector<16xf32>,
    %swap3A_476 = arith.constant 3 : i32
    %swap3A_477 = arith.index_cast %swap3A_476 : i32 to index
    %swap3A_478 = arith.constant 96 : index
    %swap3A_479 = tpu.vector_load %arg10[%swap3A_477, %swap3A_478] {strides = array<i32>} : memref<16x128xf32, #tpu.memory_space<vmem>>, vector<16xf32>,
    tpu.vector_store %arg10[%swap3A_477, %swap3A_478], %mul3A_4 {strides = array<i32>} : memref<16x128xf32, #tpu.memory_space<vmem>>, vector<16xf32>,
    %swap3A_480 = arith.constant 4 : i32
    %swap3A_481 = arith.index_cast %swap3A_480 : i32 to index
    %swap3A_482 = arith.constant 96 : index
    %swap3A_483 = tpu.vector_load %arg10[%swap3A_481, %swap3A_482] {strides = array<i32>} : memref<16x128xf32, #tpu.memory_space<vmem>>, vector<16xf32>,
    tpu.vector_store %arg10[%swap3A_481, %swap3A_482], %mul3A_4 {strides = array<i32>} : memref<16x128xf32, #tpu.memory_space<vmem>>, vector<16xf32>,
    %swap3A_484 = arith.constant 5 : i32
    %swap3A_485 = arith.index_cast %swap3A_484 : i32 to index
    %swap3A_486 = arith.constant 96 : index
    %swap3A_487 = tpu.vector_load %arg10[%swap3A_485, %swap3A_486] {strides = array<i32>} : memref<16x128xf32, #tpu.memory_space<vmem>>, vector<16xf32>,
    tpu.vector_store %arg10[%swap3A_485, %swap3A_486], %mul3A_4 {strides = array<i32>} : memref<16x128xf32, #tpu.memory_space<vmem>>, vector<16xf32>,
    %swap3A_488 = arith.constant 6 : i32
    %swap3A_489 = arith.index_cast %swap3A_488 : i32 to index
    %swap3A_490 = arith.constant 96 : index
    %swap3A_491 = tpu.vector_load %arg10[%swap3A_489, %swap3A_490] {strides = array<i32>} : memref<16x128xf32, #tpu.memory_space<vmem>>, vector<16xf32>,
    tpu.vector_store %arg10[%swap3A_489, %swap3A_490], %mul3A_4 {strides = array<i32>} : memref<16x128xf32, #tpu.memory_space<vmem>>, vector<16xf32>,
    %swap3A_492 = arith.constant 7 : i32
    %swap3A_493 = arith.index_cast %swap3A_492 : i32 to index
    %swap3A_494 = arith.constant 96 : index
    %swap3A_495 = tpu.vector_load %arg10[%swap3A_493, %swap3A_494] {strides = array<i32>} : memref<16x128xf32, #tpu.memory_space<vmem>>, vector<16xf32>,
    tpu.vector_store %arg10[%swap3A_493, %swap3A_494], %mul3A_4 {strides = array<i32>} : memref<16x128xf32, #tpu.memory_space<vmem>>, vector<16xf32>,
    %swap3A_496 = arith.constant 8 : i32
    %swap3A_497 = arith.index_cast %swap3A_496 : i32 to index
    %swap3A_498 = arith.constant 96 : index
    %swap3A_499 = tpu.vector_load %arg10[%swap3A_497, %swap3A_498] {strides = array<i32>} : memref<16x128xf32, #tpu.memory_space<vmem>>, vector<16xf32>,
    tpu.vector_store %arg10[%swap3A_497, %swap3A_498], %mul3A_4 {strides = array<i32>} : memref<16x128xf32, #tpu.memory_space<vmem>>, vector<16xf32>,
    %swap3A_500 = arith.constant 9 : i32
    %swap3A_501 = arith.index_cast %swap3A_500 : i32 to index
    %swap3A_502 = arith.constant 96 : index
    %swap3A_503 = tpu.vector_load %arg10[%swap3A_501, %swap3A_502] {strides = array<i32>} : memref<16x128xf32, #tpu.memory_space<vmem>>, vector<16xf32>,
    tpu.vector_store %arg10[%swap3A_501, %swap3A_502], %mul3A_4 {strides = array<i32>} : memref<16x128xf32, #tpu.memory_space<vmem>>, vector<16xf32>,
    %swap3A_504 = arith.constant 10 : i32
    %swap3A_505 = arith.index_cast %swap3A_504 : i32 to index
    %swap3A_506 = arith.constant 96 : index
    %swap3A_507 = tpu.vector_load %arg10[%swap3A_505, %swap3A_506] {strides = array<i32>} : memref<16x128xf32, #tpu.memory_space<vmem>>, vector<16xf32>,
    tpu.vector_store %arg10[%swap3A_505, %swap3A_506], %mul3A_4 {strides = array<i32>} : memref<16x128xf32, #tpu.memory_space<vmem>>, vector<16xf32>,
    %swap3A_508 = arith.constant 11 : i32
    %swap3A_509 = arith.index_cast %swap3A_508 : i32 to index
    %swap3A_510 = arith.constant 96 : index
    %swap3A_511 = tpu.vector_load %arg10[%swap3A_509, %swap3A_510] {strides = array<i32>} : memref<16x128xf32, #tpu.memory_space<vmem>>, vector<16xf32>,
    tpu.vector_store %arg10[%swap3A_509, %swap3A_510], %mul3A_4 {strides = array<i32>} : memref<16x128xf32, #tpu.memory_space<vmem>>, vector<16xf32>,
    %swap3A_512 = arith.constant 12 : i32
    %swap3A_513 = arith.index_cast %swap3A_512 : i32 to index
    %swap3A_514 = arith.constant 96 : index
    %swap3A_515 = tpu.vector_load %arg10[%swap3A_513, %swap3A_514] {strides = array<i32>} : memref<16x128xf32, #tpu.memory_space<vmem>>, vector<16xf32>,
    tpu.vector_store %arg10[%swap3A_513, %swap3A_514], %mul3A_4 {strides = array<i32>} : memref<16x128xf32, #tpu.memory_space<vmem>>, vector<16xf32>,
    %swap3A_516 = arith.constant 13 : i32
    %swap3A_517 = arith.index_cast %swap3A_516 : i32 to index
    %swap3A_518 = arith.constant 96 : index
    %swap3A_519 = tpu.vector_load %arg10[%swap3A_517, %swap3A_518] {strides = array<i32>} : memref<16x128xf32, #tpu.memory_space<vmem>>, vector<16xf32>,
    tpu.vector_store %arg10[%swap3A_517, %swap3A_518], %mul3A_4 {strides = array<i32>} : memref<16x128xf32, #tpu.memory_space<vmem>>, vector<16xf32>,
    %swap3A_520 = arith.constant 14 : i32
    %swap3A_521 = arith.index_cast %swap3A_520 : i32 to index
    %swap3A_522 = arith.constant 96 : index
    %swap3A_523 = tpu.vector_load %arg10[%swap3A_521, %swap3A_522] {strides = array<i32>} : memref<16x128xf32, #tpu.memory_space<vmem>>, vector<16xf32>,
    tpu.vector_store %arg10[%swap3A_521, %swap3A_522], %mul3A_4 {strides = array<i32>} : memref<16x128xf32, #tpu.memory_space<vmem>>, vector<16xf32>,
    %swap3A_524 = arith.constant 15 : i32
    %swap3A_525 = arith.index_cast %swap3A_524 : i32 to index
    %swap3A_526 = arith.constant 96 : index
    %swap3A_527 = tpu.vector_load %arg10[%swap3A_525, %swap3A_526] {strides = array<i32>} : memref<16x128xf32, #tpu.memory_space<vmem>>, vector<16xf32>,
    tpu.vector_store %arg10[%swap3A_525, %swap3A_526], %mul3A_4 {strides = array<i32>} : memref<16x128xf32, #tpu.memory_space<vmem>>, vector<16xf32>,
    %swap3A_528 = arith.constant 0 : i32
    %swap3A_529 = arith.index_cast %swap3A_528 : i32 to index
    %swap3A_530 = arith.constant 112 : index
    %swap3A_531 = tpu.vector_load %arg10[%swap3A_529, %swap3A_530] {strides = array<i32>} : memref<16x128xf32, #tpu.memory_space<vmem>>, vector<16xf32>,
    tpu.vector_store %arg10[%swap3A_529, %swap3A_530], %mul3A_4 {strides = array<i32>} : memref<16x128xf32, #tpu.memory_space<vmem>>, vector<16xf32>,
    %swap3A_532 = arith.constant 1 : i32
    %swap3A_533 = arith.index_cast %swap3A_532 : i32 to index
    %swap3A_534 = arith.constant 112 : index
    %swap3A_535 = tpu.vector_load %arg10[%swap3A_533, %swap3A_534] {strides = array<i32>} : memref<16x128xf32, #tpu.memory_space<vmem>>, vector<16xf32>,
    tpu.vector_store %arg10[%swap3A_533, %swap3A_534], %mul3A_4 {strides = array<i32>} : memref<16x128xf32, #tpu.memory_space<vmem>>, vector<16xf32>,
    %swap3A_536 = arith.constant 2 : i32
    %swap3A_537 = arith.index_cast %swap3A_536 : i32 to index
    %swap3A_538 = arith.constant 112 : index
    %swap3A_539 = tpu.vector_load %arg10[%swap3A_537, %swap3A_538] {strides = array<i32>} : memref<16x128xf32, #tpu.memory_space<vmem>>, vector<16xf32>,
    tpu.vector_store %arg10[%swap3A_537, %swap3A_538], %mul3A_4 {strides = array<i32>} : memref<16x128xf32, #tpu.memory_space<vmem>>, vector<16xf32>,
    %swap3A_540 = arith.constant 3 : i32
    %swap3A_541 = arith.index_cast %swap3A_540 : i32 to index
    %swap3A_542 = arith.constant 112 : index
    %swap3A_543 = tpu.vector_load %arg10[%swap3A_541, %swap3A_542] {strides = array<i32>} : memref<16x128xf32, #tpu.memory_space<vmem>>, vector<16xf32>,
    tpu.vector_store %arg10[%swap3A_541, %swap3A_542], %mul3A_4 {strides = array<i32>} : memref<16x128xf32, #tpu.memory_space<vmem>>, vector<16xf32>,
    %swap3A_544 = arith.constant 4 : i32
    %swap3A_545 = arith.index_cast %swap3A_544 : i32 to index
    %swap3A_546 = arith.constant 112 : index
    %swap3A_547 = tpu.vector_load %arg10[%swap3A_545, %swap3A_546] {strides = array<i32>} : memref<16x128xf32, #tpu.memory_space<vmem>>, vector<16xf32>,
    tpu.vector_store %arg10[%swap3A_545, %swap3A_546], %mul3A_4 {strides = array<i32>} : memref<16x128xf32, #tpu.memory_space<vmem>>, vector<16xf32>,
    %swap3A_548 = arith.constant 5 : i32
    %swap3A_549 = arith.index_cast %swap3A_548 : i32 to index
    %swap3A_550 = arith.constant 112 : index
    %swap3A_551 = tpu.vector_load %arg10[%swap3A_549, %swap3A_550] {strides = array<i32>} : memref<16x128xf32, #tpu.memory_space<vmem>>, vector<16xf32>,
    tpu.vector_store %arg10[%swap3A_549, %swap3A_550], %mul3A_4 {strides = array<i32>} : memref<16x128xf32, #tpu.memory_space<vmem>>, vector<16xf32>,
    %swap3A_552 = arith.constant 6 : i32
    %swap3A_553 = arith.index_cast %swap3A_552 : i32 to index
    %swap3A_554 = arith.constant 112 : index
    %swap3A_555 = tpu.vector_load %arg10[%swap3A_553, %swap3A_554] {strides = array<i32>} : memref<16x128xf32, #tpu.memory_space<vmem>>, vector<16xf32>,
    tpu.vector_store %arg10[%swap3A_553, %swap3A_554], %mul3A_4 {strides = array<i32>} : memref<16x128xf32, #tpu.memory_space<vmem>>, vector<16xf32>,
    %swap3A_556 = arith.constant 7 : i32
    %swap3A_557 = arith.index_cast %swap3A_556 : i32 to index
    %swap3A_558 = arith.constant 112 : index
    %swap3A_559 = tpu.vector_load %arg10[%swap3A_557, %swap3A_558] {strides = array<i32>} : memref<16x128xf32, #tpu.memory_space<vmem>>, vector<16xf32>,
    tpu.vector_store %arg10[%swap3A_557, %swap3A_558], %mul3A_4 {strides = array<i32>} : memref<16x128xf32, #tpu.memory_space<vmem>>, vector<16xf32>,
    %swap3A_560 = arith.constant 8 : i32
    %swap3A_561 = arith.index_cast %swap3A_560 : i32 to index
    %swap3A_562 = arith.constant 112 : index
    %swap3A_563 = tpu.vector_load %arg10[%swap3A_561, %swap3A_562] {strides = array<i32>} : memref<16x128xf32, #tpu.memory_space<vmem>>, vector<16xf32>,
    tpu.vector_store %arg10[%swap3A_561, %swap3A_562], %mul3A_4 {strides = array<i32>} : memref<16x128xf32, #tpu.memory_space<vmem>>, vector<16xf32>,
    %swap3A_564 = arith.constant 9 : i32
    %swap3A_565 = arith.index_cast %swap3A_564 : i32 to index
    %swap3A_566 = arith.constant 112 : index
    %swap3A_567 = tpu.vector_load %arg10[%swap3A_565, %swap3A_566] {strides = array<i32>} : memref<16x128xf32, #tpu.memory_space<vmem>>, vector<16xf32>,
    tpu.vector_store %arg10[%swap3A_565, %swap3A_566], %mul3A_4 {strides = array<i32>} : memref<16x128xf32, #tpu.memory_space<vmem>>, vector<16xf32>,
    %swap3A_568 = arith.constant 10 : i32
    %swap3A_569 = arith.index_cast %swap3A_568 : i32 to index
    %swap3A_570 = arith.constant 112 : index
    %swap3A_571 = tpu.vector_load %arg10[%swap3A_569, %swap3A_570] {strides = array<i32>} : memref<16x128xf32, #tpu.memory_space<vmem>>, vector<16xf32>,
    tpu.vector_store %arg10[%swap3A_569, %swap3A_570], %mul3A_4 {strides = array<i32>} : memref<16x128xf32, #tpu.memory_space<vmem>>, vector<16xf32>,
    %swap3A_572 = arith.constant 11 : i32
    %swap3A_573 = arith.index_cast %swap3A_572 : i32 to index
    %swap3A_574 = arith.constant 112 : index
    %swap3A_575 = tpu.vector_load %arg10[%swap3A_573, %swap3A_574] {strides = array<i32>} : memref<16x128xf32, #tpu.memory_space<vmem>>, vector<16xf32>,
    tpu.vector_store %arg10[%swap3A_573, %swap3A_574], %mul3A_4 {strides = array<i32>} : memref<16x128xf32, #tpu.memory_space<vmem>>, vector<16xf32>,
    %swap3A_576 = arith.constant 12 : i32
    %swap3A_577 = arith.index_cast %swap3A_576 : i32 to index
    %swap3A_578 = arith.constant 112 : index
    %swap3A_579 = tpu.vector_load %arg10[%swap3A_577, %swap3A_578] {strides = array<i32>} : memref<16x128xf32, #tpu.memory_space<vmem>>, vector<16xf32>,
    tpu.vector_store %arg10[%swap3A_577, %swap3A_578], %mul3A_4 {strides = array<i32>} : memref<16x128xf32, #tpu.memory_space<vmem>>, vector<16xf32>,
    %swap3A_580 = arith.constant 13 : i32
    %swap3A_581 = arith.index_cast %swap3A_580 : i32 to index
    %swap3A_582 = arith.constant 112 : index
    %swap3A_583 = tpu.vector_load %arg10[%swap3A_581, %swap3A_582] {strides = array<i32>} : memref<16x128xf32, #tpu.memory_space<vmem>>, vector<16xf32>,
    tpu.vector_store %arg10[%swap3A_581, %swap3A_582], %mul3A_4 {strides = array<i32>} : memref<16x128xf32, #tpu.memory_space<vmem>>, vector<16xf32>,
    %swap3A_584 = arith.constant 14 : i32
    %swap3A_585 = arith.index_cast %swap3A_584 : i32 to index
    %swap3A_586 = arith.constant 112 : index
    %swap3A_587 = tpu.vector_load %arg10[%swap3A_585, %swap3A_586] {strides = array<i32>} : memref<16x128xf32, #tpu.memory_space<vmem>>, vector<16xf32>,
    tpu.vector_store %arg10[%swap3A_585, %swap3A_586], %mul3A_4 {strides = array<i32>} : memref<16x128xf32, #tpu.memory_space<vmem>>, vector<16xf32>,
    %swap3A_588 = arith.constant 15 : i32
    %swap3A_589 = arith.index_cast %swap3A_588 : i32 to index
    %swap3A_590 = arith.constant 112 : index
    %swap3A_591 = tpu.vector_load %arg10[%swap3A_589, %swap3A_590] {strides = array<i32>} : memref<16x128xf32, #tpu.memory_space<vmem>>, vector<16xf32>,
    tpu.vector_store %arg10[%swap3A_589, %swap3A_590], %mul3A_4 {strides = array<i32>} : memref<16x128xf32, #tpu.memory_space<vmem>>, vector<16xf32>,
    %mul3A_592 = arith.constant 16 : i32
    %mul3A_593 = arith.muli %arg1, %mul3A_592 : i32
    "tpu.region"() ({
      %run_scoped3A = tpu.sem_alloc : memref<!tpu.dma_semaphore, #tpu.memory_space<semaphore_mem>>
      %dma_start3A_619 = arith.constant 0 : i32
      %dma_start3A_620 = tpu.memref_slice %arg11[%mul3A_593, %dma_start3A_619] : memref<256x16xf32, #tpu.memory_space<vmem_shared>> -> memref<16x16xf32, #tpu.memory_space<vmem_shared>>
      %dma_start3A_621 = arith.constant 0 : i32
      %dma_start3A_622 = tpu.memref_slice %arg11[%mul3A_593, %dma_start3A_621] : memref<256x16xf32, #tpu.memory_space<vmem_shared>> -> memref<16x16xf32, #tpu.memory_space<vmem_shared>>
      tpu.enqueue_dma source(%arg8 : memref<16x16xf32, #tpu.memory_space<vmem>>) target(%dma_start3A_622 : memref<16x16xf32, #tpu.memory_space<vmem_shared>>) target_semaphore(%run_scoped3A : memref<!tpu.dma_semaphore, #tpu.memory_space<semaphore_mem>>)
      %dma_wait3A_623 = arith.constant 0 : i32
      %dma_wait3A_624 = tpu.memref_slice %arg11[%mul3A_593, %dma_wait3A_623] : memref<256x16xf32, #tpu.memory_space<vmem_shared>> -> memref<16x16xf32, #tpu.memory_space<vmem_shared>>
      %dma_wait3A_625 = arith.constant 0 : i32
      %dma_wait3A_626 = tpu.memref_slice %arg11[%mul3A_593, %dma_wait3A_625] : memref<256x16xf32, #tpu.memory_space<vmem_shared>> -> memref<16x16xf32, #tpu.memory_space<vmem_shared>>
      tpu.wait_dma2 semaphore(%run_scoped3A : memref<!tpu.dma_semaphore, #tpu.memory_space<semaphore_mem>>) src(%arg8 : memref<16x16xf32, #tpu.memory_space<vmem>>) dst(%dma_wait3A_626 : memref<16x16xf32, #tpu.memory_space<vmem_shared>>)
      tpu.yield
    }) : () -> ()
    %not3A = arith.constant true
    %not3A_594 = arith.xori %eq3A_7, %not3A : i1
    %convert_element_type3A_595 = arith.extui %not3A_594 : i1 to i32
    %cond3A = arith.constant 0 : i32
    %cond3A_596 = arith.cmpi ne, %convert_element_type3A_595, %cond3A : i32
    scf.if %cond3A_596 {
      %add3A_619 = arith.constant 0 : i32
      %add3A_620 = arith.addi %select_n3A_13, %add3A_619 : i32
      %dma_start3A_621 = arith.constant 0 : i32
      %dma_start3A_622 = arith.constant 0 : i32
      %dma_start3A_623 = tpu.memref_slice %arg6[%dma_start3A_621, %dma_start3A_622] : memref<5x128xi32, #tpu.memory_space<vmem>> -> memref<1x128xi32, #tpu.memory_space<vmem>>
      %dma_start3A_624 = tpu.memref_squeeze %dma_start3A_623 : memref<1x128xi32, #tpu.memory_space<vmem>> -> memref<128xi32, #tpu.memory_space<vmem>>
      %dma_start3A_625 = tpu.memref_slice %arg3[%add3A_620] : memref<10000xi32, #tpu.memory_space<hbm>> -> memref<128xi32, #tpu.memory_space<hbm>>
      %dma_start3A_626 = arith.constant 0 : i32
      %dma_start3A_627 = tpu.memref_slice %arg6[%dma_start3A_621, %dma_start3A_626] : memref<5x128xi32, #tpu.memory_space<vmem>> -> memref<1x128xi32, #tpu.memory_space<vmem>>
      %dma_start3A_628 = tpu.memref_squeeze %dma_start3A_627 : memref<1x128xi32, #tpu.memory_space<vmem>> -> memref<128xi32, #tpu.memory_space<vmem>>
      %dma_start3A_629 = tpu.memref_slice %arg3[%add3A_620] : memref<10000xi32, #tpu.memory_space<hbm>> -> memref<128xi32, #tpu.memory_space<hbm>>
      tpu.enqueue_dma source(%dma_start3A_629 : memref<128xi32, #tpu.memory_space<hbm>>) target(%dma_start3A_628 : memref<128xi32, #tpu.memory_space<vmem>>) target_semaphore(%arg12 : memref<!tpu.dma_semaphore, #tpu.memory_space<semaphore_mem>>)
      %add3A_630 = arith.constant 128 : i32
      %add3A_631 = arith.addi %select_n3A_13, %add3A_630 : i32
      %dma_start3A_632 = arith.constant 1 : i32
      %dma_start3A_633 = arith.constant 0 : i32
      %dma_start3A_634 = tpu.memref_slice %arg6[%dma_start3A_632, %dma_start3A_633] : memref<5x128xi32, #tpu.memory_space<vmem>> -> memref<1x128xi32, #tpu.memory_space<vmem>>
      %dma_start3A_635 = tpu.memref_squeeze %dma_start3A_634 : memref<1x128xi32, #tpu.memory_space<vmem>> -> memref<128xi32, #tpu.memory_space<vmem>>
      %dma_start3A_636 = tpu.memref_slice %arg3[%add3A_631] : memref<10000xi32, #tpu.memory_space<hbm>> -> memref<128xi32, #tpu.memory_space<hbm>>
      %dma_start3A_637 = arith.constant 0 : i32
      %dma_start3A_638 = tpu.memref_slice %arg6[%dma_start3A_632, %dma_start3A_637] : memref<5x128xi32, #tpu.memory_space<vmem>> -> memref<1x128xi32, #tpu.memory_space<vmem>>
      %dma_start3A_639 = tpu.memref_squeeze %dma_start3A_638 : memref<1x128xi32, #tpu.memory_space<vmem>> -> memref<128xi32, #tpu.memory_space<vmem>>
      %dma_start3A_640 = tpu.memref_slice %arg3[%add3A_631] : memref<10000xi32, #tpu.memory_space<hbm>> -> memref<128xi32, #tpu.memory_space<hbm>>
      tpu.enqueue_dma source(%dma_start3A_640 : memref<128xi32, #tpu.memory_space<hbm>>) target(%dma_start3A_639 : memref<128xi32, #tpu.memory_space<vmem>>) target_semaphore(%arg12 : memref<!tpu.dma_semaphore, #tpu.memory_space<semaphore_mem>>)
      %add3A_641 = arith.constant 256 : i32
      %add3A_642 = arith.addi %select_n3A_13, %add3A_641 : i32
      %dma_start3A_643 = arith.constant 2 : i32
      %dma_start3A_644 = arith.constant 0 : i32
      %dma_start3A_645 = tpu.memref_slice %arg6[%dma_start3A_643, %dma_start3A_644] : memref<5x128xi32, #tpu.memory_space<vmem>> -> memref<1x128xi32, #tpu.memory_space<vmem>>
      %dma_start3A_646 = tpu.memref_squeeze %dma_start3A_645 : memref<1x128xi32, #tpu.memory_space<vmem>> -> memref<128xi32, #tpu.memory_space<vmem>>
      %dma_start3A_647 = tpu.memref_slice %arg3[%add3A_642] : memref<10000xi32, #tpu.memory_space<hbm>> -> memref<128xi32, #tpu.memory_space<hbm>>
      %dma_start3A_648 = arith.constant 0 : i32
      %dma_start3A_649 = tpu.memref_slice %arg6[%dma_start3A_643, %dma_start3A_648] : memref<5x128xi32, #tpu.memory_space<vmem>> -> memref<1x128xi32, #tpu.memory_space<vmem>>
      %dma_start3A_650 = tpu.memref_squeeze %dma_start3A_649 : memref<1x128xi32, #tpu.memory_space<vmem>> -> memref<128xi32, #tpu.memory_space<vmem>>
      %dma_start3A_651 = tpu.memref_slice %arg3[%add3A_642] : memref<10000xi32, #tpu.memory_space<hbm>> -> memref<128xi32, #tpu.memory_space<hbm>>
      tpu.enqueue_dma source(%dma_start3A_651 : memref<128xi32, #tpu.memory_space<hbm>>) target(%dma_start3A_650 : memref<128xi32, #tpu.memory_space<vmem>>) target_semaphore(%arg12 : memref<!tpu.dma_semaphore, #tpu.memory_space<semaphore_mem>>)
      %add3A_652 = arith.constant 384 : i32
      %add3A_653 = arith.addi %select_n3A_13, %add3A_652 : i32
      %dma_start3A_654 = arith.constant 3 : i32
      %dma_start3A_655 = arith.constant 0 : i32
      %dma_start3A_656 = tpu.memref_slice %arg6[%dma_start3A_654, %dma_start3A_655] : memref<5x128xi32, #tpu.memory_space<vmem>> -> memref<1x128xi32, #tpu.memory_space<vmem>>
      %dma_start3A_657 = tpu.memref_squeeze %dma_start3A_656 : memref<1x128xi32, #tpu.memory_space<vmem>> -> memref<128xi32, #tpu.memory_space<vmem>>
      %dma_start3A_658 = tpu.memref_slice %arg3[%add3A_653] : memref<10000xi32, #tpu.memory_space<hbm>> -> memref<128xi32, #tpu.memory_space<hbm>>
      %dma_start3A_659 = arith.constant 0 : i32
      %dma_start3A_660 = tpu.memref_slice %arg6[%dma_start3A_654, %dma_start3A_659] : memref<5x128xi32, #tpu.memory_space<vmem>> -> memref<1x128xi32, #tpu.memory_space<vmem>>
      %dma_start3A_661 = tpu.memref_squeeze %dma_start3A_660 : memref<1x128xi32, #tpu.memory_space<vmem>> -> memref<128xi32, #tpu.memory_space<vmem>>
      %dma_start3A_662 = tpu.memref_slice %arg3[%add3A_653] : memref<10000xi32, #tpu.memory_space<hbm>> -> memref<128xi32, #tpu.memory_space<hbm>>
      tpu.enqueue_dma source(%dma_start3A_662 : memref<128xi32, #tpu.memory_space<hbm>>) target(%dma_start3A_661 : memref<128xi32, #tpu.memory_space<vmem>>) target_semaphore(%arg12 : memref<!tpu.dma_semaphore, #tpu.memory_space<semaphore_mem>>)
      %add3A_663 = arith.constant 512 : i32
      %add3A_664 = arith.addi %select_n3A_13, %add3A_663 : i32
      %dma_start3A_665 = arith.constant 4 : i32
      %dma_start3A_666 = arith.constant 0 : i32
      %dma_start3A_667 = tpu.memref_slice %arg6[%dma_start3A_665, %dma_start3A_666] : memref<5x128xi32, #tpu.memory_space<vmem>> -> memref<1x128xi32, #tpu.memory_space<vmem>>
      %dma_start3A_668 = tpu.memref_squeeze %dma_start3A_667 : memref<1x128xi32, #tpu.memory_space<vmem>> -> memref<128xi32, #tpu.memory_space<vmem>>
      %dma_start3A_669 = tpu.memref_slice %arg3[%add3A_664] : memref<10000xi32, #tpu.memory_space<hbm>> -> memref<128xi32, #tpu.memory_space<hbm>>
      %dma_start3A_670 = arith.constant 0 : i32
      %dma_start3A_671 = tpu.memref_slice %arg6[%dma_start3A_665, %dma_start3A_670] : memref<5x128xi32, #tpu.memory_space<vmem>> -> memref<1x128xi32, #tpu.memory_space<vmem>>
      %dma_start3A_672 = tpu.memref_squeeze %dma_start3A_671 : memref<1x128xi32, #tpu.memory_space<vmem>> -> memref<128xi32, #tpu.memory_space<vmem>>
      %dma_start3A_673 = tpu.memref_slice %arg3[%add3A_664] : memref<10000xi32, #tpu.memory_space<hbm>> -> memref<128xi32, #tpu.memory_space<hbm>>
      tpu.enqueue_dma source(%dma_start3A_673 : memref<128xi32, #tpu.memory_space<hbm>>) target(%dma_start3A_672 : memref<128xi32, #tpu.memory_space<vmem>>) target_semaphore(%arg12 : memref<!tpu.dma_semaphore, #tpu.memory_space<semaphore_mem>>)
      %dma_wait3A_674 = arith.constant 0 : i32
      %dma_wait3A_675 = arith.constant 0 : i32
      %dma_wait3A_676 = tpu.memref_slice %arg6[%dma_wait3A_674, %dma_wait3A_675] : memref<5x128xi32, #tpu.memory_space<vmem>> -> memref<1x128xi32, #tpu.memory_space<vmem>>
      %dma_wait3A_677 = tpu.memref_squeeze %dma_wait3A_676 : memref<1x128xi32, #tpu.memory_space<vmem>> -> memref<128xi32, #tpu.memory_space<vmem>>
      %dma_wait3A_678 = tpu.memref_slice %arg3[%add3A_620] : memref<10000xi32, #tpu.memory_space<hbm>> -> memref<128xi32, #tpu.memory_space<hbm>>
      %dma_wait3A_679 = arith.constant 0 : i32
      %dma_wait3A_680 = tpu.memref_slice %arg6[%dma_wait3A_674, %dma_wait3A_679] : memref<5x128xi32, #tpu.memory_space<vmem>> -> memref<1x128xi32, #tpu.memory_space<vmem>>
      %dma_wait3A_681 = tpu.memref_squeeze %dma_wait3A_680 : memref<1x128xi32, #tpu.memory_space<vmem>> -> memref<128xi32, #tpu.memory_space<vmem>>
      %dma_wait3A_682 = tpu.memref_slice %arg3[%add3A_620] : memref<10000xi32, #tpu.memory_space<hbm>> -> memref<128xi32, #tpu.memory_space<hbm>>
      tpu.wait_dma2 semaphore(%arg12 : memref<!tpu.dma_semaphore, #tpu.memory_space<semaphore_mem>>) src(%dma_wait3A_682 : memref<128xi32, #tpu.memory_space<hbm>>) dst(%dma_wait3A_681 : memref<128xi32, #tpu.memory_space<vmem>>)
      %dma_wait3A_683 = arith.constant 1 : i32
      %dma_wait3A_684 = arith.constant 0 : i32
      %dma_wait3A_685 = tpu.memref_slice %arg6[%dma_wait3A_683, %dma_wait3A_684] : memref<5x128xi32, #tpu.memory_space<vmem>> -> memref<1x128xi32, #tpu.memory_space<vmem>>
      %dma_wait3A_686 = tpu.memref_squeeze %dma_wait3A_685 : memref<1x128xi32, #tpu.memory_space<vmem>> -> memref<128xi32, #tpu.memory_space<vmem>>
      %dma_wait3A_687 = tpu.memref_slice %arg3[%add3A_631] : memref<10000xi32, #tpu.memory_space<hbm>> -> memref<128xi32, #tpu.memory_space<hbm>>
      %dma_wait3A_688 = arith.constant 0 : i32
      %dma_wait3A_689 = tpu.memref_slice %arg6[%dma_wait3A_683, %dma_wait3A_688] : memref<5x128xi32, #tpu.memory_space<vmem>> -> memref<1x128xi32, #tpu.memory_space<vmem>>
      %dma_wait3A_690 = tpu.memref_squeeze %dma_wait3A_689 : memref<1x128xi32, #tpu.memory_space<vmem>> -> memref<128xi32, #tpu.memory_space<vmem>>
      %dma_wait3A_691 = tpu.memref_slice %arg3[%add3A_631] : memref<10000xi32, #tpu.memory_space<hbm>> -> memref<128xi32, #tpu.memory_space<hbm>>
      tpu.wait_dma2 semaphore(%arg12 : memref<!tpu.dma_semaphore, #tpu.memory_space<semaphore_mem>>) src(%dma_wait3A_691 : memref<128xi32, #tpu.memory_space<hbm>>) dst(%dma_wait3A_690 : memref<128xi32, #tpu.memory_space<vmem>>)
      %dma_wait3A_692 = arith.constant 2 : i32
      %dma_wait3A_693 = arith.constant 0 : i32
      %dma_wait3A_694 = tpu.memref_slice %arg6[%dma_wait3A_692, %dma_wait3A_693] : memref<5x128xi32, #tpu.memory_space<vmem>> -> memref<1x128xi32, #tpu.memory_space<vmem>>
      %dma_wait3A_695 = tpu.memref_squeeze %dma_wait3A_694 : memref<1x128xi32, #tpu.memory_space<vmem>> -> memref<128xi32, #tpu.memory_space<vmem>>
      %dma_wait3A_696 = tpu.memref_slice %arg3[%add3A_642] : memref<10000xi32, #tpu.memory_space<hbm>> -> memref<128xi32, #tpu.memory_space<hbm>>
      %dma_wait3A_697 = arith.constant 0 : i32
      %dma_wait3A_698 = tpu.memref_slice %arg6[%dma_wait3A_692, %dma_wait3A_697] : memref<5x128xi32, #tpu.memory_space<vmem>> -> memref<1x128xi32, #tpu.memory_space<vmem>>
      %dma_wait3A_699 = tpu.memref_squeeze %dma_wait3A_698 : memref<1x128xi32, #tpu.memory_space<vmem>> -> memref<128xi32, #tpu.memory_space<vmem>>
      %dma_wait3A_700 = tpu.memref_slice %arg3[%add3A_642] : memref<10000xi32, #tpu.memory_space<hbm>> -> memref<128xi32, #tpu.memory_space<hbm>>
      tpu.wait_dma2 semaphore(%arg12 : memref<!tpu.dma_semaphore, #tpu.memory_space<semaphore_mem>>) src(%dma_wait3A_700 : memref<128xi32, #tpu.memory_space<hbm>>) dst(%dma_wait3A_699 : memref<128xi32, #tpu.memory_space<vmem>>)
      %dma_wait3A_701 = arith.constant 3 : i32
      %dma_wait3A_702 = arith.constant 0 : i32
      %dma_wait3A_703 = tpu.memref_slice %arg6[%dma_wait3A_701, %dma_wait3A_702] : memref<5x128xi32, #tpu.memory_space<vmem>> -> memref<1x128xi32, #tpu.memory_space<vmem>>
      %dma_wait3A_704 = tpu.memref_squeeze %dma_wait3A_703 : memref<1x128xi32, #tpu.memory_space<vmem>> -> memref<128xi32, #tpu.memory_space<vmem>>
      %dma_wait3A_705 = tpu.memref_slice %arg3[%add3A_653] : memref<10000xi32, #tpu.memory_space<hbm>> -> memref<128xi32, #tpu.memory_space<hbm>>
      %dma_wait3A_706 = arith.constant 0 : i32
      %dma_wait3A_707 = tpu.memref_slice %arg6[%dma_wait3A_701, %dma_wait3A_706] : memref<5x128xi32, #tpu.memory_space<vmem>> -> memref<1x128xi32, #tpu.memory_space<vmem>>
      %dma_wait3A_708 = tpu.memref_squeeze %dma_wait3A_707 : memref<1x128xi32, #tpu.memory_space<vmem>> -> memref<128xi32, #tpu.memory_space<vmem>>
      %dma_wait3A_709 = tpu.memref_slice %arg3[%add3A_653] : memref<10000xi32, #tpu.memory_space<hbm>> -> memref<128xi32, #tpu.memory_space<hbm>>
      tpu.wait_dma2 semaphore(%arg12 : memref<!tpu.dma_semaphore, #tpu.memory_space<semaphore_mem>>) src(%dma_wait3A_709 : memref<128xi32, #tpu.memory_space<hbm>>) dst(%dma_wait3A_708 : memref<128xi32, #tpu.memory_space<vmem>>)
      %dma_wait3A_710 = arith.constant 4 : i32
      %dma_wait3A_711 = arith.constant 0 : i32
      %dma_wait3A_712 = tpu.memref_slice %arg6[%dma_wait3A_710, %dma_wait3A_711] : memref<5x128xi32, #tpu.memory_space<vmem>> -> memref<1x128xi32, #tpu.memory_space<vmem>>
      %dma_wait3A_713 = tpu.memref_squeeze %dma_wait3A_712 : memref<1x128xi32, #tpu.memory_space<vmem>> -> memref<128xi32, #tpu.memory_space<vmem>>
      %dma_wait3A_714 = tpu.memref_slice %arg3[%add3A_664] : memref<10000xi32, #tpu.memory_space<hbm>> -> memref<128xi32, #tpu.memory_space<hbm>>
      %dma_wait3A_715 = arith.constant 0 : i32
      %dma_wait3A_716 = tpu.memref_slice %arg6[%dma_wait3A_710, %dma_wait3A_715] : memref<5x128xi32, #tpu.memory_space<vmem>> -> memref<1x128xi32, #tpu.memory_space<vmem>>
      %dma_wait3A_717 = tpu.memref_squeeze %dma_wait3A_716 : memref<1x128xi32, #tpu.memory_space<vmem>> -> memref<128xi32, #tpu.memory_space<vmem>>
      %dma_wait3A_718 = tpu.memref_slice %arg3[%add3A_664] : memref<10000xi32, #tpu.memory_space<hbm>> -> memref<128xi32, #tpu.memory_space<hbm>>
      tpu.wait_dma2 semaphore(%arg12 : memref<!tpu.dma_semaphore, #tpu.memory_space<semaphore_mem>>) src(%dma_wait3A_718 : memref<128xi32, #tpu.memory_space<hbm>>) dst(%dma_wait3A_717 : memref<128xi32, #tpu.memory_space<vmem>>)
    } else {
    }
    %convert_element_type3A_597 = arith.extui %eq3A_7 : i1 to i32
    %cond3A_598 = arith.constant 0 : i32
    %cond3A_599 = arith.cmpi ne, %convert_element_type3A_597, %cond3A_598 : i32
    scf.if %cond3A_599 {
      %add3A_619 = arith.constant 0 : i32
      %add3A_620 = arith.addi %select_n3A_13, %add3A_619 : i32
      %dma_start3A_621 = arith.constant 0 : i32
      %dma_start3A_622 = arith.constant 0 : i32
      %dma_start3A_623 = tpu.memref_slice %arg6[%dma_start3A_621, %dma_start3A_622] : memref<5x128xi32, #tpu.memory_space<vmem>> -> memref<1x128xi32, #tpu.memory_space<vmem>>
      %dma_start3A_624 = tpu.memref_squeeze %dma_start3A_623 : memref<1x128xi32, #tpu.memory_space<vmem>> -> memref<128xi32, #tpu.memory_space<vmem>>
      %dma_start3A_625 = tpu.memref_slice %arg3[%add3A_620] : memref<10000xi32, #tpu.memory_space<hbm>> -> memref<128xi32, #tpu.memory_space<hbm>>
      %dma_start3A_626 = arith.constant 0 : i32
      %dma_start3A_627 = tpu.memref_slice %arg6[%dma_start3A_621, %dma_start3A_626] : memref<5x128xi32, #tpu.memory_space<vmem>> -> memref<1x128xi32, #tpu.memory_space<vmem>>
      %dma_start3A_628 = tpu.memref_squeeze %dma_start3A_627 : memref<1x128xi32, #tpu.memory_space<vmem>> -> memref<128xi32, #tpu.memory_space<vmem>>
      %dma_start3A_629 = tpu.memref_slice %arg3[%add3A_620] : memref<10000xi32, #tpu.memory_space<hbm>> -> memref<128xi32, #tpu.memory_space<hbm>>
      tpu.enqueue_dma source(%dma_start3A_629 : memref<128xi32, #tpu.memory_space<hbm>>) target(%dma_start3A_628 : memref<128xi32, #tpu.memory_space<vmem>>) target_semaphore(%arg12 : memref<!tpu.dma_semaphore, #tpu.memory_space<semaphore_mem>>)
      %add3A_630 = arith.constant 128 : i32
      %add3A_631 = arith.addi %select_n3A_13, %add3A_630 : i32
      %dma_start3A_632 = arith.constant 1 : i32
      %dma_start3A_633 = arith.constant 0 : i32
      %dma_start3A_634 = tpu.memref_slice %arg6[%dma_start3A_632, %dma_start3A_633] : memref<5x128xi32, #tpu.memory_space<vmem>> -> memref<1x128xi32, #tpu.memory_space<vmem>>
      %dma_start3A_635 = tpu.memref_squeeze %dma_start3A_634 : memref<1x128xi32, #tpu.memory_space<vmem>> -> memref<128xi32, #tpu.memory_space<vmem>>
      %dma_start3A_636 = tpu.memref_slice %arg3[%add3A_631] : memref<10000xi32, #tpu.memory_space<hbm>> -> memref<128xi32, #tpu.memory_space<hbm>>
      %dma_start3A_637 = arith.constant 0 : i32
      %dma_start3A_638 = tpu.memref_slice %arg6[%dma_start3A_632, %dma_start3A_637] : memref<5x128xi32, #tpu.memory_space<vmem>> -> memref<1x128xi32, #tpu.memory_space<vmem>>
      %dma_start3A_639 = tpu.memref_squeeze %dma_start3A_638 : memref<1x128xi32, #tpu.memory_space<vmem>> -> memref<128xi32, #tpu.memory_space<vmem>>
      %dma_start3A_640 = tpu.memref_slice %arg3[%add3A_631] : memref<10000xi32, #tpu.memory_space<hbm>> -> memref<128xi32, #tpu.memory_space<hbm>>
      tpu.enqueue_dma source(%dma_start3A_640 : memref<128xi32, #tpu.memory_space<hbm>>) target(%dma_start3A_639 : memref<128xi32, #tpu.memory_space<vmem>>) target_semaphore(%arg12 : memref<!tpu.dma_semaphore, #tpu.memory_space<semaphore_mem>>)
      %add3A_641 = arith.constant 256 : i32
      %add3A_642 = arith.addi %select_n3A_13, %add3A_641 : i32
      %dma_start3A_643 = arith.constant 2 : i32
      %dma_start3A_644 = arith.constant 0 : i32
      %dma_start3A_645 = tpu.memref_slice %arg6[%dma_start3A_643, %dma_start3A_644] : memref<5x128xi32, #tpu.memory_space<vmem>> -> memref<1x128xi32, #tpu.memory_space<vmem>>
      %dma_start3A_646 = tpu.memref_squeeze %dma_start3A_645 : memref<1x128xi32, #tpu.memory_space<vmem>> -> memref<128xi32, #tpu.memory_space<vmem>>
      %dma_start3A_647 = tpu.memref_slice %arg3[%add3A_642] : memref<10000xi32, #tpu.memory_space<hbm>> -> memref<128xi32, #tpu.memory_space<hbm>>
      %dma_start3A_648 = arith.constant 0 : i32
      %dma_start3A_649 = tpu.memref_slice %arg6[%dma_start3A_643, %dma_start3A_648] : memref<5x128xi32, #tpu.memory_space<vmem>> -> memref<1x128xi32, #tpu.memory_space<vmem>>
      %dma_start3A_650 = tpu.memref_squeeze %dma_start3A_649 : memref<1x128xi32, #tpu.memory_space<vmem>> -> memref<128xi32, #tpu.memory_space<vmem>>
      %dma_start3A_651 = tpu.memref_slice %arg3[%add3A_642] : memref<10000xi32, #tpu.memory_space<hbm>> -> memref<128xi32, #tpu.memory_space<hbm>>
      tpu.enqueue_dma source(%dma_start3A_651 : memref<128xi32, #tpu.memory_space<hbm>>) target(%dma_start3A_650 : memref<128xi32, #tpu.memory_space<vmem>>) target_semaphore(%arg12 : memref<!tpu.dma_semaphore, #tpu.memory_space<semaphore_mem>>)
      %dma_start3A_652 = arith.constant 9984 : i32
      %dma_start3A_653 = tpu.memref_slice %arg3[%dma_start3A_652] : memref<10000xi32, #tpu.memory_space<hbm>> -> memref<16xi32, #tpu.memory_space<hbm>>
      %dma_start3A_654 = arith.constant 9984 : i32
      %dma_start3A_655 = tpu.memref_slice %arg3[%dma_start3A_654] : memref<10000xi32, #tpu.memory_space<hbm>> -> memref<16xi32, #tpu.memory_space<hbm>>
      tpu.enqueue_dma source(%dma_start3A_655 : memref<16xi32, #tpu.memory_space<hbm>>) target(%arg7 : memref<16xi32, #tpu.memory_space<vmem>>) target_semaphore(%arg12 : memref<!tpu.dma_semaphore, #tpu.memory_space<semaphore_mem>>)
      %dma_wait3A_656 = arith.constant 0 : i32
      %dma_wait3A_657 = arith.constant 0 : i32
      %dma_wait3A_658 = tpu.memref_slice %arg6[%dma_wait3A_656, %dma_wait3A_657] : memref<5x128xi32, #tpu.memory_space<vmem>> -> memref<1x128xi32, #tpu.memory_space<vmem>>
      %dma_wait3A_659 = tpu.memref_squeeze %dma_wait3A_658 : memref<1x128xi32, #tpu.memory_space<vmem>> -> memref<128xi32, #tpu.memory_space<vmem>>
      %dma_wait3A_660 = tpu.memref_slice %arg3[%add3A_620] : memref<10000xi32, #tpu.memory_space<hbm>> -> memref<128xi32, #tpu.memory_space<hbm>>
      %dma_wait3A_661 = arith.constant 0 : i32
      %dma_wait3A_662 = tpu.memref_slice %arg6[%dma_wait3A_656, %dma_wait3A_661] : memref<5x128xi32, #tpu.memory_space<vmem>> -> memref<1x128xi32, #tpu.memory_space<vmem>>
      %dma_wait3A_663 = tpu.memref_squeeze %dma_wait3A_662 : memref<1x128xi32, #tpu.memory_space<vmem>> -> memref<128xi32, #tpu.memory_space<vmem>>
      %dma_wait3A_664 = tpu.memref_slice %arg3[%add3A_620] : memref<10000xi32, #tpu.memory_space<hbm>> -> memref<128xi32, #tpu.memory_space<hbm>>
      tpu.wait_dma2 semaphore(%arg12 : memref<!tpu.dma_semaphore, #tpu.memory_space<semaphore_mem>>) src(%dma_wait3A_664 : memref<128xi32, #tpu.memory_space<hbm>>) dst(%dma_wait3A_663 : memref<128xi32, #tpu.memory_space<vmem>>)
      %dma_wait3A_665 = arith.constant 1 : i32
      %dma_wait3A_666 = arith.constant 0 : i32
      %dma_wait3A_667 = tpu.memref_slice %arg6[%dma_wait3A_665, %dma_wait3A_666] : memref<5x128xi32, #tpu.memory_space<vmem>> -> memref<1x128xi32, #tpu.memory_space<vmem>>
      %dma_wait3A_668 = tpu.memref_squeeze %dma_wait3A_667 : memref<1x128xi32, #tpu.memory_space<vmem>> -> memref<128xi32, #tpu.memory_space<vmem>>
      %dma_wait3A_669 = tpu.memref_slice %arg3[%add3A_631] : memref<10000xi32, #tpu.memory_space<hbm>> -> memref<128xi32, #tpu.memory_space<hbm>>
      %dma_wait3A_670 = arith.constant 0 : i32
      %dma_wait3A_671 = tpu.memref_slice %arg6[%dma_wait3A_665, %dma_wait3A_670] : memref<5x128xi32, #tpu.memory_space<vmem>> -> memref<1x128xi32, #tpu.memory_space<vmem>>
      %dma_wait3A_672 = tpu.memref_squeeze %dma_wait3A_671 : memref<1x128xi32, #tpu.memory_space<vmem>> -> memref<128xi32, #tpu.memory_space<vmem>>
      %dma_wait3A_673 = tpu.memref_slice %arg3[%add3A_631] : memref<10000xi32, #tpu.memory_space<hbm>> -> memref<128xi32, #tpu.memory_space<hbm>>
      tpu.wait_dma2 semaphore(%arg12 : memref<!tpu.dma_semaphore, #tpu.memory_space<semaphore_mem>>) src(%dma_wait3A_673 : memref<128xi32, #tpu.memory_space<hbm>>) dst(%dma_wait3A_672 : memref<128xi32, #tpu.memory_space<vmem>>)
      %dma_wait3A_674 = arith.constant 2 : i32
      %dma_wait3A_675 = arith.constant 0 : i32
      %dma_wait3A_676 = tpu.memref_slice %arg6[%dma_wait3A_674, %dma_wait3A_675] : memref<5x128xi32, #tpu.memory_space<vmem>> -> memref<1x128xi32, #tpu.memory_space<vmem>>
      %dma_wait3A_677 = tpu.memref_squeeze %dma_wait3A_676 : memref<1x128xi32, #tpu.memory_space<vmem>> -> memref<128xi32, #tpu.memory_space<vmem>>
      %dma_wait3A_678 = tpu.memref_slice %arg3[%add3A_642] : memref<10000xi32, #tpu.memory_space<hbm>> -> memref<128xi32, #tpu.memory_space<hbm>>
      %dma_wait3A_679 = arith.constant 0 : i32
      %dma_wait3A_680 = tpu.memref_slice %arg6[%dma_wait3A_674, %dma_wait3A_679] : memref<5x128xi32, #tpu.memory_space<vmem>> -> memref<1x128xi32, #tpu.memory_space<vmem>>
      %dma_wait3A_681 = tpu.memref_squeeze %dma_wait3A_680 : memref<1x128xi32, #tpu.memory_space<vmem>> -> memref<128xi32, #tpu.memory_space<vmem>>
      %dma_wait3A_682 = tpu.memref_slice %arg3[%add3A_642] : memref<10000xi32, #tpu.memory_space<hbm>> -> memref<128xi32, #tpu.memory_space<hbm>>
      tpu.wait_dma2 semaphore(%arg12 : memref<!tpu.dma_semaphore, #tpu.memory_space<semaphore_mem>>) src(%dma_wait3A_682 : memref<128xi32, #tpu.memory_space<hbm>>) dst(%dma_wait3A_681 : memref<128xi32, #tpu.memory_space<vmem>>)
      %dma_wait3A_683 = arith.constant 9984 : i32
      %dma_wait3A_684 = tpu.memref_slice %arg3[%dma_wait3A_683] : memref<10000xi32, #tpu.memory_space<hbm>> -> memref<16xi32, #tpu.memory_space<hbm>>
      %dma_wait3A_685 = arith.constant 9984 : i32
      %dma_wait3A_686 = tpu.memref_slice %arg3[%dma_wait3A_685] : memref<10000xi32, #tpu.memory_space<hbm>> -> memref<16xi32, #tpu.memory_space<hbm>>
      tpu.wait_dma2 semaphore(%arg12 : memref<!tpu.dma_semaphore, #tpu.memory_space<semaphore_mem>>) src(%dma_wait3A_686 : memref<16xi32, #tpu.memory_space<hbm>>) dst(%arg7 : memref<16xi32, #tpu.memory_space<vmem>>)
    } else {
    }
    %barrier3A = arith.constant 0 : index
    tpu.barrier barrier_id(%barrier3A)
    %dma_wait3A = arith.constant 0 : i32
    %dma_wait3A_600 = tpu.memref_slice %arg2[%select_n3A, %dma_wait3A] : memref<10000x128xf32, #tpu.memory_space<hbm>> -> memref<640x16xf32, #tpu.memory_space<hbm>>
    %dma_wait3A_601 = arith.constant 0 : i32
    %dma_wait3A_602 = tpu.memref_slice %arg2[%select_n3A, %dma_wait3A_601] : memref<10000x128xf32, #tpu.memory_space<hbm>> -> memref<640x16xf32, #tpu.memory_space<hbm>>
    tpu.wait_dma2 semaphore(%arg12 : memref<!tpu.dma_semaphore, #tpu.memory_space<semaphore_mem>>) src(%dma_wait3A_602 : memref<640x16xf32, #tpu.memory_space<hbm>>) dst(%arg5 : memref<640x16xf32, #tpu.memory_space<vmem>>)
    %add3A_603 = arith.constant 1 : i32
    %add3A_604 = vector.broadcast %add3A_603 : i32 to vector<16xi32>
    %add3A_605 = arith.addi %mul3A_1, %add3A_604 : vector<16xi32>
    %not3A_606 = arith.constant true
    %not3A_607 = arith.xori %eq3A_7, %not3A_606 : i1
    %convert_element_type3A_608 = arith.extui %not3A_607 : i1 to i32
    %cond3A_609 = arith.constant 0 : i32
    %cond3A_610 = arith.cmpi ne, %convert_element_type3A_608, %cond3A_609 : i32
    scf.if %cond3A_610 {
      %add3A_619 = arith.constant 0 : i32
      %add3A_620 = vector.broadcast %add3A_619 : i32 to vector<16xi32>
      %add3A_621 = arith.addi %add3A_620, %iota3A : vector<16xi32>
      tpu.vector_store_idx %arg5[%add3A_621, %add3A_605], %add3A_6 : memref<640x16xf32, #tpu.memory_space<vmem>>[vector<16xi32>, vector<16xi32>], vector<16xf32>,
      %add3A_622 = arith.constant 16 : i32
      %add3A_623 = vector.broadcast %add3A_622 : i32 to vector<16xi32>
      %add3A_624 = arith.addi %add3A_623, %iota3A : vector<16xi32>
      tpu.vector_store_idx %arg5[%add3A_624, %add3A_605], %add3A_6 : memref<640x16xf32, #tpu.memory_space<vmem>>[vector<16xi32>, vector<16xi32>], vector<16xf32>,
      %add3A_625 = arith.constant 32 : i32
      %add3A_626 = vector.broadcast %add3A_625 : i32 to vector<16xi32>
      %add3A_627 = arith.addi %add3A_626, %iota3A : vector<16xi32>
      tpu.vector_store_idx %arg5[%add3A_627, %add3A_605], %add3A_6 : memref<640x16xf32, #tpu.memory_space<vmem>>[vector<16xi32>, vector<16xi32>], vector<16xf32>,
      %add3A_628 = arith.constant 48 : i32
      %add3A_629 = vector.broadcast %add3A_628 : i32 to vector<16xi32>
      %add3A_630 = arith.addi %add3A_629, %iota3A : vector<16xi32>
      tpu.vector_store_idx %arg5[%add3A_630, %add3A_605], %add3A_6 : memref<640x16xf32, #tpu.memory_space<vmem>>[vector<16xi32>, vector<16xi32>], vector<16xf32>,
      %add3A_631 = arith.constant 64 : i32
      %add3A_632 = vector.broadcast %add3A_631 : i32 to vector<16xi32>
      %add3A_633 = arith.addi %add3A_632, %iota3A : vector<16xi32>
      tpu.vector_store_idx %arg5[%add3A_633, %add3A_605], %add3A_6 : memref<640x16xf32, #tpu.memory_space<vmem>>[vector<16xi32>, vector<16xi32>], vector<16xf32>,
      %add3A_634 = arith.constant 80 : i32
      %add3A_635 = vector.broadcast %add3A_634 : i32 to vector<16xi32>
      %add3A_636 = arith.addi %add3A_635, %iota3A : vector<16xi32>
      tpu.vector_store_idx %arg5[%add3A_636, %add3A_605], %add3A_6 : memref<640x16xf32, #tpu.memory_space<vmem>>[vector<16xi32>, vector<16xi32>], vector<16xf32>,
      %add3A_637 = arith.constant 96 : i32
      %add3A_638 = vector.broadcast %add3A_637 : i32 to vector<16xi32>
      %add3A_639 = arith.addi %add3A_638, %iota3A : vector<16xi32>
      tpu.vector_store_idx %arg5[%add3A_639, %add3A_605], %add3A_6 : memref<640x16xf32, #tpu.memory_space<vmem>>[vector<16xi32>, vector<16xi32>], vector<16xf32>,
      %add3A_640 = arith.constant 112 : i32
      %add3A_641 = vector.broadcast %add3A_640 : i32 to vector<16xi32>
      %add3A_642 = arith.addi %add3A_641, %iota3A : vector<16xi32>
      tpu.vector_store_idx %arg5[%add3A_642, %add3A_605], %add3A_6 : memref<640x16xf32, #tpu.memory_space<vmem>>[vector<16xi32>, vector<16xi32>], vector<16xf32>,
      %add3A_643 = arith.constant 128 : i32
      %add3A_644 = vector.broadcast %add3A_643 : i32 to vector<16xi32>
      %add3A_645 = arith.addi %add3A_644, %iota3A : vector<16xi32>
      tpu.vector_store_idx %arg5[%add3A_645, %add3A_605], %add3A_6 : memref<640x16xf32, #tpu.memory_space<vmem>>[vector<16xi32>, vector<16xi32>], vector<16xf32>,
      %add3A_646 = arith.constant 144 : i32
      %add3A_647 = vector.broadcast %add3A_646 : i32 to vector<16xi32>
      %add3A_648 = arith.addi %add3A_647, %iota3A : vector<16xi32>
      tpu.vector_store_idx %arg5[%add3A_648, %add3A_605], %add3A_6 : memref<640x16xf32, #tpu.memory_space<vmem>>[vector<16xi32>, vector<16xi32>], vector<16xf32>,
      %add3A_649 = arith.constant 160 : i32
      %add3A_650 = vector.broadcast %add3A_649 : i32 to vector<16xi32>
      %add3A_651 = arith.addi %add3A_650, %iota3A : vector<16xi32>
      tpu.vector_store_idx %arg5[%add3A_651, %add3A_605], %add3A_6 : memref<640x16xf32, #tpu.memory_space<vmem>>[vector<16xi32>, vector<16xi32>], vector<16xf32>,
      %add3A_652 = arith.constant 176 : i32
      %add3A_653 = vector.broadcast %add3A_652 : i32 to vector<16xi32>
      %add3A_654 = arith.addi %add3A_653, %iota3A : vector<16xi32>
      tpu.vector_store_idx %arg5[%add3A_654, %add3A_605], %add3A_6 : memref<640x16xf32, #tpu.memory_space<vmem>>[vector<16xi32>, vector<16xi32>], vector<16xf32>,
      %add3A_655 = arith.constant 192 : i32
      %add3A_656 = vector.broadcast %add3A_655 : i32 to vector<16xi32>
      %add3A_657 = arith.addi %add3A_656, %iota3A : vector<16xi32>
      tpu.vector_store_idx %arg5[%add3A_657, %add3A_605], %add3A_6 : memref<640x16xf32, #tpu.memory_space<vmem>>[vector<16xi32>, vector<16xi32>], vector<16xf32>,
      %add3A_658 = arith.constant 208 : i32
      %add3A_659 = vector.broadcast %add3A_658 : i32 to vector<16xi32>
      %add3A_660 = arith.addi %add3A_659, %iota3A : vector<16xi32>
      tpu.vector_store_idx %arg5[%add3A_660, %add3A_605], %add3A_6 : memref<640x16xf32, #tpu.memory_space<vmem>>[vector<16xi32>, vector<16xi32>], vector<16xf32>,
      %add3A_661 = arith.constant 224 : i32
      %add3A_662 = vector.broadcast %add3A_661 : i32 to vector<16xi32>
      %add3A_663 = arith.addi %add3A_662, %iota3A : vector<16xi32>
      tpu.vector_store_idx %arg5[%add3A_663, %add3A_605], %add3A_6 : memref<640x16xf32, #tpu.memory_space<vmem>>[vector<16xi32>, vector<16xi32>], vector<16xf32>,
      %add3A_664 = arith.constant 240 : i32
      %add3A_665 = vector.broadcast %add3A_664 : i32 to vector<16xi32>
      %add3A_666 = arith.addi %add3A_665, %iota3A : vector<16xi32>
      tpu.vector_store_idx %arg5[%add3A_666, %add3A_605], %add3A_6 : memref<640x16xf32, #tpu.memory_space<vmem>>[vector<16xi32>, vector<16xi32>], vector<16xf32>,
      %add3A_667 = arith.constant 256 : i32
      %add3A_668 = vector.broadcast %add3A_667 : i32 to vector<16xi32>
      %add3A_669 = arith.addi %add3A_668, %iota3A : vector<16xi32>
      tpu.vector_store_idx %arg5[%add3A_669, %add3A_605], %add3A_6 : memref<640x16xf32, #tpu.memory_space<vmem>>[vector<16xi32>, vector<16xi32>], vector<16xf32>,
      %add3A_670 = arith.constant 272 : i32
      %add3A_671 = vector.broadcast %add3A_670 : i32 to vector<16xi32>
      %add3A_672 = arith.addi %add3A_671, %iota3A : vector<16xi32>
      tpu.vector_store_idx %arg5[%add3A_672, %add3A_605], %add3A_6 : memref<640x16xf32, #tpu.memory_space<vmem>>[vector<16xi32>, vector<16xi32>], vector<16xf32>,
      %add3A_673 = arith.constant 288 : i32
      %add3A_674 = vector.broadcast %add3A_673 : i32 to vector<16xi32>
      %add3A_675 = arith.addi %add3A_674, %iota3A : vector<16xi32>
      tpu.vector_store_idx %arg5[%add3A_675, %add3A_605], %add3A_6 : memref<640x16xf32, #tpu.memory_space<vmem>>[vector<16xi32>, vector<16xi32>], vector<16xf32>,
      %add3A_676 = arith.constant 304 : i32
      %add3A_677 = vector.broadcast %add3A_676 : i32 to vector<16xi32>
      %add3A_678 = arith.addi %add3A_677, %iota3A : vector<16xi32>
      tpu.vector_store_idx %arg5[%add3A_678, %add3A_605], %add3A_6 : memref<640x16xf32, #tpu.memory_space<vmem>>[vector<16xi32>, vector<16xi32>], vector<16xf32>,
      %add3A_679 = arith.constant 320 : i32
      %add3A_680 = vector.broadcast %add3A_679 : i32 to vector<16xi32>
      %add3A_681 = arith.addi %add3A_680, %iota3A : vector<16xi32>
      tpu.vector_store_idx %arg5[%add3A_681, %add3A_605], %add3A_6 : memref<640x16xf32, #tpu.memory_space<vmem>>[vector<16xi32>, vector<16xi32>], vector<16xf32>,
      %add3A_682 = arith.constant 336 : i32
      %add3A_683 = vector.broadcast %add3A_682 : i32 to vector<16xi32>
      %add3A_684 = arith.addi %add3A_683, %iota3A : vector<16xi32>
      tpu.vector_store_idx %arg5[%add3A_684, %add3A_605], %add3A_6 : memref<640x16xf32, #tpu.memory_space<vmem>>[vector<16xi32>, vector<16xi32>], vector<16xf32>,
      %add3A_685 = arith.constant 352 : i32
      %add3A_686 = vector.broadcast %add3A_685 : i32 to vector<16xi32>
      %add3A_687 = arith.addi %add3A_686, %iota3A : vector<16xi32>
      tpu.vector_store_idx %arg5[%add3A_687, %add3A_605], %add3A_6 : memref<640x16xf32, #tpu.memory_space<vmem>>[vector<16xi32>, vector<16xi32>], vector<16xf32>,
      %add3A_688 = arith.constant 368 : i32
      %add3A_689 = vector.broadcast %add3A_688 : i32 to vector<16xi32>
      %add3A_690 = arith.addi %add3A_689, %iota3A : vector<16xi32>
      tpu.vector_store_idx %arg5[%add3A_690, %add3A_605], %add3A_6 : memref<640x16xf32, #tpu.memory_space<vmem>>[vector<16xi32>, vector<16xi32>], vector<16xf32>,
      %add3A_691 = arith.constant 384 : i32
      %add3A_692 = vector.broadcast %add3A_691 : i32 to vector<16xi32>
      %add3A_693 = arith.addi %add3A_692, %iota3A : vector<16xi32>
      tpu.vector_store_idx %arg5[%add3A_693, %add3A_605], %add3A_6 : memref<640x16xf32, #tpu.memory_space<vmem>>[vector<16xi32>, vector<16xi32>], vector<16xf32>,
      %add3A_694 = arith.constant 400 : i32
      %add3A_695 = vector.broadcast %add3A_694 : i32 to vector<16xi32>
      %add3A_696 = arith.addi %add3A_695, %iota3A : vector<16xi32>
      tpu.vector_store_idx %arg5[%add3A_696, %add3A_605], %add3A_6 : memref<640x16xf32, #tpu.memory_space<vmem>>[vector<16xi32>, vector<16xi32>], vector<16xf32>,
      %add3A_697 = arith.constant 416 : i32
      %add3A_698 = vector.broadcast %add3A_697 : i32 to vector<16xi32>
      %add3A_699 = arith.addi %add3A_698, %iota3A : vector<16xi32>
      tpu.vector_store_idx %arg5[%add3A_699, %add3A_605], %add3A_6 : memref<640x16xf32, #tpu.memory_space<vmem>>[vector<16xi32>, vector<16xi32>], vector<16xf32>,
      %add3A_700 = arith.constant 432 : i32
      %add3A_701 = vector.broadcast %add3A_700 : i32 to vector<16xi32>
      %add3A_702 = arith.addi %add3A_701, %iota3A : vector<16xi32>
      tpu.vector_store_idx %arg5[%add3A_702, %add3A_605], %add3A_6 : memref<640x16xf32, #tpu.memory_space<vmem>>[vector<16xi32>, vector<16xi32>], vector<16xf32>,
      %add3A_703 = arith.constant 448 : i32
      %add3A_704 = vector.broadcast %add3A_703 : i32 to vector<16xi32>
      %add3A_705 = arith.addi %add3A_704, %iota3A : vector<16xi32>
      tpu.vector_store_idx %arg5[%add3A_705, %add3A_605], %add3A_6 : memref<640x16xf32, #tpu.memory_space<vmem>>[vector<16xi32>, vector<16xi32>], vector<16xf32>,
      %add3A_706 = arith.constant 464 : i32
      %add3A_707 = vector.broadcast %add3A_706 : i32 to vector<16xi32>
      %add3A_708 = arith.addi %add3A_707, %iota3A : vector<16xi32>
      tpu.vector_store_idx %arg5[%add3A_708, %add3A_605], %add3A_6 : memref<640x16xf32, #tpu.memory_space<vmem>>[vector<16xi32>, vector<16xi32>], vector<16xf32>,
      %add3A_709 = arith.constant 480 : i32
      %add3A_710 = vector.broadcast %add3A_709 : i32 to vector<16xi32>
      %add3A_711 = arith.addi %add3A_710, %iota3A : vector<16xi32>
      tpu.vector_store_idx %arg5[%add3A_711, %add3A_605], %add3A_6 : memref<640x16xf32, #tpu.memory_space<vmem>>[vector<16xi32>, vector<16xi32>], vector<16xf32>,
      %add3A_712 = arith.constant 496 : i32
      %add3A_713 = vector.broadcast %add3A_712 : i32 to vector<16xi32>
      %add3A_714 = arith.addi %add3A_713, %iota3A : vector<16xi32>
      tpu.vector_store_idx %arg5[%add3A_714, %add3A_605], %add3A_6 : memref<640x16xf32, #tpu.memory_space<vmem>>[vector<16xi32>, vector<16xi32>], vector<16xf32>,
      %add3A_715 = arith.constant 512 : i32
      %add3A_716 = vector.broadcast %add3A_715 : i32 to vector<16xi32>
      %add3A_717 = arith.addi %add3A_716, %iota3A : vector<16xi32>
      tpu.vector_store_idx %arg5[%add3A_717, %add3A_605], %add3A_6 : memref<640x16xf32, #tpu.memory_space<vmem>>[vector<16xi32>, vector<16xi32>], vector<16xf32>,
      %add3A_718 = arith.constant 528 : i32
      %add3A_719 = vector.broadcast %add3A_718 : i32 to vector<16xi32>
      %add3A_720 = arith.addi %add3A_719, %iota3A : vector<16xi32>
      tpu.vector_store_idx %arg5[%add3A_720, %add3A_605], %add3A_6 : memref<640x16xf32, #tpu.memory_space<vmem>>[vector<16xi32>, vector<16xi32>], vector<16xf32>,
      %add3A_721 = arith.constant 544 : i32
      %add3A_722 = vector.broadcast %add3A_721 : i32 to vector<16xi32>
      %add3A_723 = arith.addi %add3A_722, %iota3A : vector<16xi32>
      tpu.vector_store_idx %arg5[%add3A_723, %add3A_605], %add3A_6 : memref<640x16xf32, #tpu.memory_space<vmem>>[vector<16xi32>, vector<16xi32>], vector<16xf32>,
      %add3A_724 = arith.constant 560 : i32
      %add3A_725 = vector.broadcast %add3A_724 : i32 to vector<16xi32>
      %add3A_726 = arith.addi %add3A_725, %iota3A : vector<16xi32>
      tpu.vector_store_idx %arg5[%add3A_726, %add3A_605], %add3A_6 : memref<640x16xf32, #tpu.memory_space<vmem>>[vector<16xi32>, vector<16xi32>], vector<16xf32>,
      %add3A_727 = arith.constant 576 : i32
      %add3A_728 = vector.broadcast %add3A_727 : i32 to vector<16xi32>
      %add3A_729 = arith.addi %add3A_728, %iota3A : vector<16xi32>
      tpu.vector_store_idx %arg5[%add3A_729, %add3A_605], %add3A_6 : memref<640x16xf32, #tpu.memory_space<vmem>>[vector<16xi32>, vector<16xi32>], vector<16xf32>,
      %add3A_730 = arith.constant 592 : i32
      %add3A_731 = vector.broadcast %add3A_730 : i32 to vector<16xi32>
      %add3A_732 = arith.addi %add3A_731, %iota3A : vector<16xi32>
      tpu.vector_store_idx %arg5[%add3A_732, %add3A_605], %add3A_6 : memref<640x16xf32, #tpu.memory_space<vmem>>[vector<16xi32>, vector<16xi32>], vector<16xf32>,
      %add3A_733 = arith.constant 608 : i32
      %add3A_734 = vector.broadcast %add3A_733 : i32 to vector<16xi32>
      %add3A_735 = arith.addi %add3A_734, %iota3A : vector<16xi32>
      tpu.vector_store_idx %arg5[%add3A_735, %add3A_605], %add3A_6 : memref<640x16xf32, #tpu.memory_space<vmem>>[vector<16xi32>, vector<16xi32>], vector<16xf32>,
      %add3A_736 = arith.constant 624 : i32
      %add3A_737 = vector.broadcast %add3A_736 : i32 to vector<16xi32>
      %add3A_738 = arith.addi %add3A_737, %iota3A : vector<16xi32>
      tpu.vector_store_idx %arg5[%add3A_738, %add3A_605], %add3A_6 : memref<640x16xf32, #tpu.memory_space<vmem>>[vector<16xi32>, vector<16xi32>], vector<16xf32>,
      %dma_start3A_739 = arith.constant 0 : i32
      %dma_start3A_740 = arith.constant 0 : i32
      %dma_start3A_741 = arith.constant 0 : i32
      %dma_start3A_742 = tpu.memref_slice %arg5[%dma_start3A_740, %dma_start3A_741] : memref<640x16xf32, #tpu.memory_space<vmem>> -> memref<128x16xf32, #tpu.memory_space<vmem>>
      %dma_start3A_743 = arith.constant 0 : i32
      %dma_start3A_744 = tpu.memref_slice %arg6[%dma_start3A_739, %dma_start3A_743] : memref<5x128xi32, #tpu.memory_space<vmem>> -> memref<1x128xi32, #tpu.memory_space<vmem>>
      %dma_start3A_745 = tpu.memref_squeeze %dma_start3A_744 : memref<1x128xi32, #tpu.memory_space<vmem>> -> memref<128xi32, #tpu.memory_space<vmem>>
      %dma_start3A_746 = arith.constant 0 : i32
      %dma_start3A_747 = arith.constant 0 : i32
      %dma_start3A_748 = tpu.memref_slice %arg11[%dma_start3A_746, %dma_start3A_747] : memref<256x16xf32, #tpu.memory_space<vmem_shared>> -> memref<256x16xf32, #tpu.memory_space<vmem_shared>>
      tpu.enqueue_indirect_dma source(%dma_start3A_742 : memref<128x16xf32, #tpu.memory_space<vmem>>) target(%dma_start3A_748 : memref<256x16xf32, #tpu.memory_space<vmem_shared>>) offsets(%dma_start3A_745 : memref<128xi32, #tpu.memory_space<vmem>>) semaphore(%arg12 : memref<!tpu.dma_semaphore, #tpu.memory_space<semaphore_mem>>) {add = true}
      %dma_start3A_749 = arith.constant 1 : i32
      %dma_start3A_750 = arith.constant 128 : i32
      %dma_start3A_751 = arith.constant 0 : i32
      %dma_start3A_752 = tpu.memref_slice %arg5[%dma_start3A_750, %dma_start3A_751] : memref<640x16xf32, #tpu.memory_space<vmem>> -> memref<128x16xf32, #tpu.memory_space<vmem>>
      %dma_start3A_753 = arith.constant 0 : i32
      %dma_start3A_754 = tpu.memref_slice %arg6[%dma_start3A_749, %dma_start3A_753] : memref<5x128xi32, #tpu.memory_space<vmem>> -> memref<1x128xi32, #tpu.memory_space<vmem>>
      %dma_start3A_755 = tpu.memref_squeeze %dma_start3A_754 : memref<1x128xi32, #tpu.memory_space<vmem>> -> memref<128xi32, #tpu.memory_space<vmem>>
      %dma_start3A_756 = arith.constant 0 : i32
      %dma_start3A_757 = arith.constant 0 : i32
      %dma_start3A_758 = tpu.memref_slice %arg11[%dma_start3A_756, %dma_start3A_757] : memref<256x16xf32, #tpu.memory_space<vmem_shared>> -> memref<256x16xf32, #tpu.memory_space<vmem_shared>>
      tpu.enqueue_indirect_dma source(%dma_start3A_752 : memref<128x16xf32, #tpu.memory_space<vmem>>) target(%dma_start3A_758 : memref<256x16xf32, #tpu.memory_space<vmem_shared>>) offsets(%dma_start3A_755 : memref<128xi32, #tpu.memory_space<vmem>>) semaphore(%arg12 : memref<!tpu.dma_semaphore, #tpu.memory_space<semaphore_mem>>) {add = true}
      %dma_start3A_759 = arith.constant 2 : i32
      %dma_start3A_760 = arith.constant 256 : i32
      %dma_start3A_761 = arith.constant 0 : i32
      %dma_start3A_762 = tpu.memref_slice %arg5[%dma_start3A_760, %dma_start3A_761] : memref<640x16xf32, #tpu.memory_space<vmem>> -> memref<128x16xf32, #tpu.memory_space<vmem>>
      %dma_start3A_763 = arith.constant 0 : i32
      %dma_start3A_764 = tpu.memref_slice %arg6[%dma_start3A_759, %dma_start3A_763] : memref<5x128xi32, #tpu.memory_space<vmem>> -> memref<1x128xi32, #tpu.memory_space<vmem>>
      %dma_start3A_765 = tpu.memref_squeeze %dma_start3A_764 : memref<1x128xi32, #tpu.memory_space<vmem>> -> memref<128xi32, #tpu.memory_space<vmem>>
      %dma_start3A_766 = arith.constant 0 : i32
      %dma_start3A_767 = arith.constant 0 : i32
      %dma_start3A_768 = tpu.memref_slice %arg11[%dma_start3A_766, %dma_start3A_767] : memref<256x16xf32, #tpu.memory_space<vmem_shared>> -> memref<256x16xf32, #tpu.memory_space<vmem_shared>>
      tpu.enqueue_indirect_dma source(%dma_start3A_762 : memref<128x16xf32, #tpu.memory_space<vmem>>) target(%dma_start3A_768 : memref<256x16xf32, #tpu.memory_space<vmem_shared>>) offsets(%dma_start3A_765 : memref<128xi32, #tpu.memory_space<vmem>>) semaphore(%arg12 : memref<!tpu.dma_semaphore, #tpu.memory_space<semaphore_mem>>) {add = true}
      %dma_start3A_769 = arith.constant 3 : i32
      %dma_start3A_770 = arith.constant 384 : i32
      %dma_start3A_771 = arith.constant 0 : i32
      %dma_start3A_772 = tpu.memref_slice %arg5[%dma_start3A_770, %dma_start3A_771] : memref<640x16xf32, #tpu.memory_space<vmem>> -> memref<128x16xf32, #tpu.memory_space<vmem>>
      %dma_start3A_773 = arith.constant 0 : i32
      %dma_start3A_774 = tpu.memref_slice %arg6[%dma_start3A_769, %dma_start3A_773] : memref<5x128xi32, #tpu.memory_space<vmem>> -> memref<1x128xi32, #tpu.memory_space<vmem>>
      %dma_start3A_775 = tpu.memref_squeeze %dma_start3A_774 : memref<1x128xi32, #tpu.memory_space<vmem>> -> memref<128xi32, #tpu.memory_space<vmem>>
      %dma_start3A_776 = arith.constant 0 : i32
      %dma_start3A_777 = arith.constant 0 : i32
      %dma_start3A_778 = tpu.memref_slice %arg11[%dma_start3A_776, %dma_start3A_777] : memref<256x16xf32, #tpu.memory_space<vmem_shared>> -> memref<256x16xf32, #tpu.memory_space<vmem_shared>>
      tpu.enqueue_indirect_dma source(%dma_start3A_772 : memref<128x16xf32, #tpu.memory_space<vmem>>) target(%dma_start3A_778 : memref<256x16xf32, #tpu.memory_space<vmem_shared>>) offsets(%dma_start3A_775 : memref<128xi32, #tpu.memory_space<vmem>>) semaphore(%arg12 : memref<!tpu.dma_semaphore, #tpu.memory_space<semaphore_mem>>) {add = true}
      %dma_start3A_779 = arith.constant 4 : i32
      %dma_start3A_780 = arith.constant 512 : i32
      %dma_start3A_781 = arith.constant 0 : i32
      %dma_start3A_782 = tpu.memref_slice %arg5[%dma_start3A_780, %dma_start3A_781] : memref<640x16xf32, #tpu.memory_space<vmem>> -> memref<128x16xf32, #tpu.memory_space<vmem>>
      %dma_start3A_783 = arith.constant 0 : i32
      %dma_start3A_784 = tpu.memref_slice %arg6[%dma_start3A_779, %dma_start3A_783] : memref<5x128xi32, #tpu.memory_space<vmem>> -> memref<1x128xi32, #tpu.memory_space<vmem>>
      %dma_start3A_785 = tpu.memref_squeeze %dma_start3A_784 : memref<1x128xi32, #tpu.memory_space<vmem>> -> memref<128xi32, #tpu.memory_space<vmem>>
      %dma_start3A_786 = arith.constant 0 : i32
      %dma_start3A_787 = arith.constant 0 : i32
      %dma_start3A_788 = tpu.memref_slice %arg11[%dma_start3A_786, %dma_start3A_787] : memref<256x16xf32, #tpu.memory_space<vmem_shared>> -> memref<256x16xf32, #tpu.memory_space<vmem_shared>>
      tpu.enqueue_indirect_dma source(%dma_start3A_782 : memref<128x16xf32, #tpu.memory_space<vmem>>) target(%dma_start3A_788 : memref<256x16xf32, #tpu.memory_space<vmem_shared>>) offsets(%dma_start3A_785 : memref<128xi32, #tpu.memory_space<vmem>>) semaphore(%arg12 : memref<!tpu.dma_semaphore, #tpu.memory_space<semaphore_mem>>) {add = true}
      %dma_wait3A_789 = arith.constant 0 : i32
      %dma_wait3A_790 = arith.constant 0 : i32
      %dma_wait3A_791 = arith.constant 0 : i32
      %dma_wait3A_792 = tpu.memref_slice %arg5[%dma_wait3A_790, %dma_wait3A_791] : memref<640x16xf32, #tpu.memory_space<vmem>> -> memref<128x16xf32, #tpu.memory_space<vmem>>
      %dma_wait3A_793 = arith.constant 0 : i32
      %dma_wait3A_794 = tpu.memref_slice %arg6[%dma_wait3A_789, %dma_wait3A_793] : memref<5x128xi32, #tpu.memory_space<vmem>> -> memref<1x128xi32, #tpu.memory_space<vmem>>
      %dma_wait3A_795 = tpu.memref_squeeze %dma_wait3A_794 : memref<1x128xi32, #tpu.memory_space<vmem>> -> memref<128xi32, #tpu.memory_space<vmem>>
      %dma_wait3A_796 = arith.constant 0 : i32
      %dma_wait3A_797 = arith.constant 0 : i32
      %dma_wait3A_798 = tpu.memref_slice %arg11[%dma_wait3A_796, %dma_wait3A_797] : memref<256x16xf32, #tpu.memory_space<vmem_shared>> -> memref<256x16xf32, #tpu.memory_space<vmem_shared>>
      tpu.wait_indirect_dma semaphore(%arg12 : memref<!tpu.dma_semaphore, #tpu.memory_space<semaphore_mem>>) src(%dma_wait3A_792 : memref<128x16xf32, #tpu.memory_space<vmem>>) dst(%dma_wait3A_798 : memref<256x16xf32, #tpu.memory_space<vmem_shared>>)
      %dma_wait3A_799 = arith.constant 1 : i32
      %dma_wait3A_800 = arith.constant 128 : i32
      %dma_wait3A_801 = arith.constant 0 : i32
      %dma_wait3A_802 = tpu.memref_slice %arg5[%dma_wait3A_800, %dma_wait3A_801] : memref<640x16xf32, #tpu.memory_space<vmem>> -> memref<128x16xf32, #tpu.memory_space<vmem>>
      %dma_wait3A_803 = arith.constant 0 : i32
      %dma_wait3A_804 = tpu.memref_slice %arg6[%dma_wait3A_799, %dma_wait3A_803] : memref<5x128xi32, #tpu.memory_space<vmem>> -> memref<1x128xi32, #tpu.memory_space<vmem>>
      %dma_wait3A_805 = tpu.memref_squeeze %dma_wait3A_804 : memref<1x128xi32, #tpu.memory_space<vmem>> -> memref<128xi32, #tpu.memory_space<vmem>>
      %dma_wait3A_806 = arith.constant 0 : i32
      %dma_wait3A_807 = arith.constant 0 : i32
      %dma_wait3A_808 = tpu.memref_slice %arg11[%dma_wait3A_806, %dma_wait3A_807] : memref<256x16xf32, #tpu.memory_space<vmem_shared>> -> memref<256x16xf32, #tpu.memory_space<vmem_shared>>
      tpu.wait_indirect_dma semaphore(%arg12 : memref<!tpu.dma_semaphore, #tpu.memory_space<semaphore_mem>>) src(%dma_wait3A_802 : memref<128x16xf32, #tpu.memory_space<vmem>>) dst(%dma_wait3A_808 : memref<256x16xf32, #tpu.memory_space<vmem_shared>>)
      %dma_wait3A_809 = arith.constant 2 : i32
      %dma_wait3A_810 = arith.constant 256 : i32
      %dma_wait3A_811 = arith.constant 0 : i32
      %dma_wait3A_812 = tpu.memref_slice %arg5[%dma_wait3A_810, %dma_wait3A_811] : memref<640x16xf32, #tpu.memory_space<vmem>> -> memref<128x16xf32, #tpu.memory_space<vmem>>
      %dma_wait3A_813 = arith.constant 0 : i32
      %dma_wait3A_814 = tpu.memref_slice %arg6[%dma_wait3A_809, %dma_wait3A_813] : memref<5x128xi32, #tpu.memory_space<vmem>> -> memref<1x128xi32, #tpu.memory_space<vmem>>
      %dma_wait3A_815 = tpu.memref_squeeze %dma_wait3A_814 : memref<1x128xi32, #tpu.memory_space<vmem>> -> memref<128xi32, #tpu.memory_space<vmem>>
      %dma_wait3A_816 = arith.constant 0 : i32
      %dma_wait3A_817 = arith.constant 0 : i32
      %dma_wait3A_818 = tpu.memref_slice %arg11[%dma_wait3A_816, %dma_wait3A_817] : memref<256x16xf32, #tpu.memory_space<vmem_shared>> -> memref<256x16xf32, #tpu.memory_space<vmem_shared>>
      tpu.wait_indirect_dma semaphore(%arg12 : memref<!tpu.dma_semaphore, #tpu.memory_space<semaphore_mem>>) src(%dma_wait3A_812 : memref<128x16xf32, #tpu.memory_space<vmem>>) dst(%dma_wait3A_818 : memref<256x16xf32, #tpu.memory_space<vmem_shared>>)
      %dma_wait3A_819 = arith.constant 3 : i32
      %dma_wait3A_820 = arith.constant 384 : i32
      %dma_wait3A_821 = arith.constant 0 : i32
      %dma_wait3A_822 = tpu.memref_slice %arg5[%dma_wait3A_820, %dma_wait3A_821] : memref<640x16xf32, #tpu.memory_space<vmem>> -> memref<128x16xf32, #tpu.memory_space<vmem>>
      %dma_wait3A_823 = arith.constant 0 : i32
      %dma_wait3A_824 = tpu.memref_slice %arg6[%dma_wait3A_819, %dma_wait3A_823] : memref<5x128xi32, #tpu.memory_space<vmem>> -> memref<1x128xi32, #tpu.memory_space<vmem>>
      %dma_wait3A_825 = tpu.memref_squeeze %dma_wait3A_824 : memref<1x128xi32, #tpu.memory_space<vmem>> -> memref<128xi32, #tpu.memory_space<vmem>>
      %dma_wait3A_826 = arith.constant 0 : i32
      %dma_wait3A_827 = arith.constant 0 : i32
      %dma_wait3A_828 = tpu.memref_slice %arg11[%dma_wait3A_826, %dma_wait3A_827] : memref<256x16xf32, #tpu.memory_space<vmem_shared>> -> memref<256x16xf32, #tpu.memory_space<vmem_shared>>
      tpu.wait_indirect_dma semaphore(%arg12 : memref<!tpu.dma_semaphore, #tpu.memory_space<semaphore_mem>>) src(%dma_wait3A_822 : memref<128x16xf32, #tpu.memory_space<vmem>>) dst(%dma_wait3A_828 : memref<256x16xf32, #tpu.memory_space<vmem_shared>>)
      %dma_wait3A_829 = arith.constant 4 : i32
      %dma_wait3A_830 = arith.constant 512 : i32
      %dma_wait3A_831 = arith.constant 0 : i32
      %dma_wait3A_832 = tpu.memref_slice %arg5[%dma_wait3A_830, %dma_wait3A_831] : memref<640x16xf32, #tpu.memory_space<vmem>> -> memref<128x16xf32, #tpu.memory_space<vmem>>
      %dma_wait3A_833 = arith.constant 0 : i32
      %dma_wait3A_834 = tpu.memref_slice %arg6[%dma_wait3A_829, %dma_wait3A_833] : memref<5x128xi32, #tpu.memory_space<vmem>> -> memref<1x128xi32, #tpu.memory_space<vmem>>
      %dma_wait3A_835 = tpu.memref_squeeze %dma_wait3A_834 : memref<1x128xi32, #tpu.memory_space<vmem>> -> memref<128xi32, #tpu.memory_space<vmem>>
      %dma_wait3A_836 = arith.constant 0 : i32
      %dma_wait3A_837 = arith.constant 0 : i32
      %dma_wait3A_838 = tpu.memref_slice %arg11[%dma_wait3A_836, %dma_wait3A_837] : memref<256x16xf32, #tpu.memory_space<vmem_shared>> -> memref<256x16xf32, #tpu.memory_space<vmem_shared>>
      tpu.wait_indirect_dma semaphore(%arg12 : memref<!tpu.dma_semaphore, #tpu.memory_space<semaphore_mem>>) src(%dma_wait3A_832 : memref<128x16xf32, #tpu.memory_space<vmem>>) dst(%dma_wait3A_838 : memref<256x16xf32, #tpu.memory_space<vmem_shared>>)
    } else {
    }
    %convert_element_type3A_611 = arith.extui %eq3A_7 : i1 to i32
    %cond3A_612 = arith.constant 0 : i32
    %cond3A_613 = arith.cmpi ne, %convert_element_type3A_611, %cond3A_612 : i32
    scf.if %cond3A_613 {
      %add3A_619 = arith.constant 240 : i32
      %add3A_620 = vector.broadcast %add3A_619 : i32 to vector<16xi32>
      %add3A_621 = arith.addi %add3A_620, %iota3A : vector<16xi32>
      tpu.vector_store_idx %arg5[%add3A_621, %add3A_605], %add3A_6 : memref<640x16xf32, #tpu.memory_space<vmem>>[vector<16xi32>, vector<16xi32>], vector<16xf32>,
      %add3A_622 = arith.constant 256 : i32
      %add3A_623 = vector.broadcast %add3A_622 : i32 to vector<16xi32>
      %add3A_624 = arith.addi %add3A_623, %iota3A : vector<16xi32>
      tpu.vector_store_idx %arg5[%add3A_624, %add3A_605], %add3A_6 : memref<640x16xf32, #tpu.memory_space<vmem>>[vector<16xi32>, vector<16xi32>], vector<16xf32>,
      %add3A_625 = arith.constant 272 : i32
      %add3A_626 = vector.broadcast %add3A_625 : i32 to vector<16xi32>
      %add3A_627 = arith.addi %add3A_626, %iota3A : vector<16xi32>
      tpu.vector_store_idx %arg5[%add3A_627, %add3A_605], %add3A_6 : memref<640x16xf32, #tpu.memory_space<vmem>>[vector<16xi32>, vector<16xi32>], vector<16xf32>,
      %add3A_628 = arith.constant 288 : i32
      %add3A_629 = vector.broadcast %add3A_628 : i32 to vector<16xi32>
      %add3A_630 = arith.addi %add3A_629, %iota3A : vector<16xi32>
      tpu.vector_store_idx %arg5[%add3A_630, %add3A_605], %add3A_6 : memref<640x16xf32, #tpu.memory_space<vmem>>[vector<16xi32>, vector<16xi32>], vector<16xf32>,
      %add3A_631 = arith.constant 304 : i32
      %add3A_632 = vector.broadcast %add3A_631 : i32 to vector<16xi32>
      %add3A_633 = arith.addi %add3A_632, %iota3A : vector<16xi32>
      tpu.vector_store_idx %arg5[%add3A_633, %add3A_605], %add3A_6 : memref<640x16xf32, #tpu.memory_space<vmem>>[vector<16xi32>, vector<16xi32>], vector<16xf32>,
      %add3A_634 = arith.constant 320 : i32
      %add3A_635 = vector.broadcast %add3A_634 : i32 to vector<16xi32>
      %add3A_636 = arith.addi %add3A_635, %iota3A : vector<16xi32>
      tpu.vector_store_idx %arg5[%add3A_636, %add3A_605], %add3A_6 : memref<640x16xf32, #tpu.memory_space<vmem>>[vector<16xi32>, vector<16xi32>], vector<16xf32>,
      %add3A_637 = arith.constant 336 : i32
      %add3A_638 = vector.broadcast %add3A_637 : i32 to vector<16xi32>
      %add3A_639 = arith.addi %add3A_638, %iota3A : vector<16xi32>
      tpu.vector_store_idx %arg5[%add3A_639, %add3A_605], %add3A_6 : memref<640x16xf32, #tpu.memory_space<vmem>>[vector<16xi32>, vector<16xi32>], vector<16xf32>,
      %add3A_640 = arith.constant 352 : i32
      %add3A_641 = vector.broadcast %add3A_640 : i32 to vector<16xi32>
      %add3A_642 = arith.addi %add3A_641, %iota3A : vector<16xi32>
      tpu.vector_store_idx %arg5[%add3A_642, %add3A_605], %add3A_6 : memref<640x16xf32, #tpu.memory_space<vmem>>[vector<16xi32>, vector<16xi32>], vector<16xf32>,
      %add3A_643 = arith.constant 368 : i32
      %add3A_644 = vector.broadcast %add3A_643 : i32 to vector<16xi32>
      %add3A_645 = arith.addi %add3A_644, %iota3A : vector<16xi32>
      tpu.vector_store_idx %arg5[%add3A_645, %add3A_605], %add3A_6 : memref<640x16xf32, #tpu.memory_space<vmem>>[vector<16xi32>, vector<16xi32>], vector<16xf32>,
      %add3A_646 = arith.constant 384 : i32
      %add3A_647 = vector.broadcast %add3A_646 : i32 to vector<16xi32>
      %add3A_648 = arith.addi %add3A_647, %iota3A : vector<16xi32>
      tpu.vector_store_idx %arg5[%add3A_648, %add3A_605], %add3A_6 : memref<640x16xf32, #tpu.memory_space<vmem>>[vector<16xi32>, vector<16xi32>], vector<16xf32>,
      %add3A_649 = arith.constant 400 : i32
      %add3A_650 = vector.broadcast %add3A_649 : i32 to vector<16xi32>
      %add3A_651 = arith.addi %add3A_650, %iota3A : vector<16xi32>
      tpu.vector_store_idx %arg5[%add3A_651, %add3A_605], %add3A_6 : memref<640x16xf32, #tpu.memory_space<vmem>>[vector<16xi32>, vector<16xi32>], vector<16xf32>,
      %add3A_652 = arith.constant 416 : i32
      %add3A_653 = vector.broadcast %add3A_652 : i32 to vector<16xi32>
      %add3A_654 = arith.addi %add3A_653, %iota3A : vector<16xi32>
      tpu.vector_store_idx %arg5[%add3A_654, %add3A_605], %add3A_6 : memref<640x16xf32, #tpu.memory_space<vmem>>[vector<16xi32>, vector<16xi32>], vector<16xf32>,
      %add3A_655 = arith.constant 432 : i32
      %add3A_656 = vector.broadcast %add3A_655 : i32 to vector<16xi32>
      %add3A_657 = arith.addi %add3A_656, %iota3A : vector<16xi32>
      tpu.vector_store_idx %arg5[%add3A_657, %add3A_605], %add3A_6 : memref<640x16xf32, #tpu.memory_space<vmem>>[vector<16xi32>, vector<16xi32>], vector<16xf32>,
      %add3A_658 = arith.constant 448 : i32
      %add3A_659 = vector.broadcast %add3A_658 : i32 to vector<16xi32>
      %add3A_660 = arith.addi %add3A_659, %iota3A : vector<16xi32>
      tpu.vector_store_idx %arg5[%add3A_660, %add3A_605], %add3A_6 : memref<640x16xf32, #tpu.memory_space<vmem>>[vector<16xi32>, vector<16xi32>], vector<16xf32>,
      %add3A_661 = arith.constant 464 : i32
      %add3A_662 = vector.broadcast %add3A_661 : i32 to vector<16xi32>
      %add3A_663 = arith.addi %add3A_662, %iota3A : vector<16xi32>
      tpu.vector_store_idx %arg5[%add3A_663, %add3A_605], %add3A_6 : memref<640x16xf32, #tpu.memory_space<vmem>>[vector<16xi32>, vector<16xi32>], vector<16xf32>,
      %add3A_664 = arith.constant 480 : i32
      %add3A_665 = vector.broadcast %add3A_664 : i32 to vector<16xi32>
      %add3A_666 = arith.addi %add3A_665, %iota3A : vector<16xi32>
      tpu.vector_store_idx %arg5[%add3A_666, %add3A_605], %add3A_6 : memref<640x16xf32, #tpu.memory_space<vmem>>[vector<16xi32>, vector<16xi32>], vector<16xf32>,
      %add3A_667 = arith.constant 496 : i32
      %add3A_668 = vector.broadcast %add3A_667 : i32 to vector<16xi32>
      %add3A_669 = arith.addi %add3A_668, %iota3A : vector<16xi32>
      tpu.vector_store_idx %arg5[%add3A_669, %add3A_605], %add3A_6 : memref<640x16xf32, #tpu.memory_space<vmem>>[vector<16xi32>, vector<16xi32>], vector<16xf32>,
      %add3A_670 = arith.constant 512 : i32
      %add3A_671 = vector.broadcast %add3A_670 : i32 to vector<16xi32>
      %add3A_672 = arith.addi %add3A_671, %iota3A : vector<16xi32>
      tpu.vector_store_idx %arg5[%add3A_672, %add3A_605], %add3A_6 : memref<640x16xf32, #tpu.memory_space<vmem>>[vector<16xi32>, vector<16xi32>], vector<16xf32>,
      %add3A_673 = arith.constant 528 : i32
      %add3A_674 = vector.broadcast %add3A_673 : i32 to vector<16xi32>
      %add3A_675 = arith.addi %add3A_674, %iota3A : vector<16xi32>
      tpu.vector_store_idx %arg5[%add3A_675, %add3A_605], %add3A_6 : memref<640x16xf32, #tpu.memory_space<vmem>>[vector<16xi32>, vector<16xi32>], vector<16xf32>,
      %add3A_676 = arith.constant 544 : i32
      %add3A_677 = vector.broadcast %add3A_676 : i32 to vector<16xi32>
      %add3A_678 = arith.addi %add3A_677, %iota3A : vector<16xi32>
      tpu.vector_store_idx %arg5[%add3A_678, %add3A_605], %add3A_6 : memref<640x16xf32, #tpu.memory_space<vmem>>[vector<16xi32>, vector<16xi32>], vector<16xf32>,
      %add3A_679 = arith.constant 560 : i32
      %add3A_680 = vector.broadcast %add3A_679 : i32 to vector<16xi32>
      %add3A_681 = arith.addi %add3A_680, %iota3A : vector<16xi32>
      tpu.vector_store_idx %arg5[%add3A_681, %add3A_605], %add3A_6 : memref<640x16xf32, #tpu.memory_space<vmem>>[vector<16xi32>, vector<16xi32>], vector<16xf32>,
      %add3A_682 = arith.constant 576 : i32
      %add3A_683 = vector.broadcast %add3A_682 : i32 to vector<16xi32>
      %add3A_684 = arith.addi %add3A_683, %iota3A : vector<16xi32>
      tpu.vector_store_idx %arg5[%add3A_684, %add3A_605], %add3A_6 : memref<640x16xf32, #tpu.memory_space<vmem>>[vector<16xi32>, vector<16xi32>], vector<16xf32>,
      %add3A_685 = arith.constant 592 : i32
      %add3A_686 = vector.broadcast %add3A_685 : i32 to vector<16xi32>
      %add3A_687 = arith.addi %add3A_686, %iota3A : vector<16xi32>
      tpu.vector_store_idx %arg5[%add3A_687, %add3A_605], %add3A_6 : memref<640x16xf32, #tpu.memory_space<vmem>>[vector<16xi32>, vector<16xi32>], vector<16xf32>,
      %add3A_688 = arith.constant 608 : i32
      %add3A_689 = vector.broadcast %add3A_688 : i32 to vector<16xi32>
      %add3A_690 = arith.addi %add3A_689, %iota3A : vector<16xi32>
      tpu.vector_store_idx %arg5[%add3A_690, %add3A_605], %add3A_6 : memref<640x16xf32, #tpu.memory_space<vmem>>[vector<16xi32>, vector<16xi32>], vector<16xf32>,
      %add3A_691 = arith.constant 624 : i32
      %add3A_692 = vector.broadcast %add3A_691 : i32 to vector<16xi32>
      %add3A_693 = arith.addi %add3A_692, %iota3A : vector<16xi32>
      tpu.vector_store_idx %arg5[%add3A_693, %add3A_605], %add3A_6 : memref<640x16xf32, #tpu.memory_space<vmem>>[vector<16xi32>, vector<16xi32>], vector<16xf32>,
      %dma_start3A_694 = arith.constant 0 : i32
      %dma_start3A_695 = arith.constant 240 : i32
      %dma_start3A_696 = arith.constant 0 : i32
      %dma_start3A_697 = tpu.memref_slice %arg5[%dma_start3A_695, %dma_start3A_696] : memref<640x16xf32, #tpu.memory_space<vmem>> -> memref<128x16xf32, #tpu.memory_space<vmem>>
      %dma_start3A_698 = arith.constant 0 : i32
      %dma_start3A_699 = tpu.memref_slice %arg6[%dma_start3A_694, %dma_start3A_698] : memref<5x128xi32, #tpu.memory_space<vmem>> -> memref<1x128xi32, #tpu.memory_space<vmem>>
      %dma_start3A_700 = tpu.memref_squeeze %dma_start3A_699 : memref<1x128xi32, #tpu.memory_space<vmem>> -> memref<128xi32, #tpu.memory_space<vmem>>
      %dma_start3A_701 = arith.constant 0 : i32
      %dma_start3A_702 = arith.constant 0 : i32
      %dma_start3A_703 = tpu.memref_slice %arg11[%dma_start3A_701, %dma_start3A_702] : memref<256x16xf32, #tpu.memory_space<vmem_shared>> -> memref<256x16xf32, #tpu.memory_space<vmem_shared>>
      tpu.enqueue_indirect_dma source(%dma_start3A_697 : memref<128x16xf32, #tpu.memory_space<vmem>>) target(%dma_start3A_703 : memref<256x16xf32, #tpu.memory_space<vmem_shared>>) offsets(%dma_start3A_700 : memref<128xi32, #tpu.memory_space<vmem>>) semaphore(%arg12 : memref<!tpu.dma_semaphore, #tpu.memory_space<semaphore_mem>>) {add = true}
      %dma_start3A_704 = arith.constant 1 : i32
      %dma_start3A_705 = arith.constant 368 : i32
      %dma_start3A_706 = arith.constant 0 : i32
      %dma_start3A_707 = tpu.memref_slice %arg5[%dma_start3A_705, %dma_start3A_706] : memref<640x16xf32, #tpu.memory_space<vmem>> -> memref<128x16xf32, #tpu.memory_space<vmem>>
      %dma_start3A_708 = arith.constant 0 : i32
      %dma_start3A_709 = tpu.memref_slice %arg6[%dma_start3A_704, %dma_start3A_708] : memref<5x128xi32, #tpu.memory_space<vmem>> -> memref<1x128xi32, #tpu.memory_space<vmem>>
      %dma_start3A_710 = tpu.memref_squeeze %dma_start3A_709 : memref<1x128xi32, #tpu.memory_space<vmem>> -> memref<128xi32, #tpu.memory_space<vmem>>
      %dma_start3A_711 = arith.constant 0 : i32
      %dma_start3A_712 = arith.constant 0 : i32
      %dma_start3A_713 = tpu.memref_slice %arg11[%dma_start3A_711, %dma_start3A_712] : memref<256x16xf32, #tpu.memory_space<vmem_shared>> -> memref<256x16xf32, #tpu.memory_space<vmem_shared>>
      tpu.enqueue_indirect_dma source(%dma_start3A_707 : memref<128x16xf32, #tpu.memory_space<vmem>>) target(%dma_start3A_713 : memref<256x16xf32, #tpu.memory_space<vmem_shared>>) offsets(%dma_start3A_710 : memref<128xi32, #tpu.memory_space<vmem>>) semaphore(%arg12 : memref<!tpu.dma_semaphore, #tpu.memory_space<semaphore_mem>>) {add = true}
      %dma_start3A_714 = arith.constant 2 : i32
      %dma_start3A_715 = arith.constant 496 : i32
      %dma_start3A_716 = arith.constant 0 : i32
      %dma_start3A_717 = tpu.memref_slice %arg5[%dma_start3A_715, %dma_start3A_716] : memref<640x16xf32, #tpu.memory_space<vmem>> -> memref<128x16xf32, #tpu.memory_space<vmem>>
      %dma_start3A_718 = arith.constant 0 : i32
      %dma_start3A_719 = tpu.memref_slice %arg6[%dma_start3A_714, %dma_start3A_718] : memref<5x128xi32, #tpu.memory_space<vmem>> -> memref<1x128xi32, #tpu.memory_space<vmem>>
      %dma_start3A_720 = tpu.memref_squeeze %dma_start3A_719 : memref<1x128xi32, #tpu.memory_space<vmem>> -> memref<128xi32, #tpu.memory_space<vmem>>
      %dma_start3A_721 = arith.constant 0 : i32
      %dma_start3A_722 = arith.constant 0 : i32
      %dma_start3A_723 = tpu.memref_slice %arg11[%dma_start3A_721, %dma_start3A_722] : memref<256x16xf32, #tpu.memory_space<vmem_shared>> -> memref<256x16xf32, #tpu.memory_space<vmem_shared>>
      tpu.enqueue_indirect_dma source(%dma_start3A_717 : memref<128x16xf32, #tpu.memory_space<vmem>>) target(%dma_start3A_723 : memref<256x16xf32, #tpu.memory_space<vmem_shared>>) offsets(%dma_start3A_720 : memref<128xi32, #tpu.memory_space<vmem>>) semaphore(%arg12 : memref<!tpu.dma_semaphore, #tpu.memory_space<semaphore_mem>>) {add = true}
      %dma_start3A_724 = arith.constant 624 : i32
      %dma_start3A_725 = arith.constant 0 : i32
      %dma_start3A_726 = tpu.memref_slice %arg5[%dma_start3A_724, %dma_start3A_725] : memref<640x16xf32, #tpu.memory_space<vmem>> -> memref<16x16xf32, #tpu.memory_space<vmem>>
      %dma_start3A_727 = arith.constant 0 : i32
      %dma_start3A_728 = arith.constant 0 : i32
      %dma_start3A_729 = tpu.memref_slice %arg11[%dma_start3A_727, %dma_start3A_728] : memref<256x16xf32, #tpu.memory_space<vmem_shared>> -> memref<256x16xf32, #tpu.memory_space<vmem_shared>>
      tpu.enqueue_indirect_dma source(%dma_start3A_726 : memref<16x16xf32, #tpu.memory_space<vmem>>) target(%dma_start3A_729 : memref<256x16xf32, #tpu.memory_space<vmem_shared>>) offsets(%arg7 : memref<16xi32, #tpu.memory_space<vmem>>) semaphore(%arg12 : memref<!tpu.dma_semaphore, #tpu.memory_space<semaphore_mem>>) {add = true}
      %dma_wait3A_730 = arith.constant 0 : i32
      %dma_wait3A_731 = arith.constant 240 : i32
      %dma_wait3A_732 = arith.constant 0 : i32
      %dma_wait3A_733 = tpu.memref_slice %arg5[%dma_wait3A_731, %dma_wait3A_732] : memref<640x16xf32, #tpu.memory_space<vmem>> -> memref<128x16xf32, #tpu.memory_space<vmem>>
      %dma_wait3A_734 = arith.constant 0 : i32
      %dma_wait3A_735 = tpu.memref_slice %arg6[%dma_wait3A_730, %dma_wait3A_734] : memref<5x128xi32, #tpu.memory_space<vmem>> -> memref<1x128xi32, #tpu.memory_space<vmem>>
      %dma_wait3A_736 = tpu.memref_squeeze %dma_wait3A_735 : memref<1x128xi32, #tpu.memory_space<vmem>> -> memref<128xi32, #tpu.memory_space<vmem>>
      %dma_wait3A_737 = arith.constant 0 : i32
      %dma_wait3A_738 = arith.constant 0 : i32
      %dma_wait3A_739 = tpu.memref_slice %arg11[%dma_wait3A_737, %dma_wait3A_738] : memref<256x16xf32, #tpu.memory_space<vmem_shared>> -> memref<256x16xf32, #tpu.memory_space<vmem_shared>>
      tpu.wait_indirect_dma semaphore(%arg12 : memref<!tpu.dma_semaphore, #tpu.memory_space<semaphore_mem>>) src(%dma_wait3A_733 : memref<128x16xf32, #tpu.memory_space<vmem>>) dst(%dma_wait3A_739 : memref<256x16xf32, #tpu.memory_space<vmem_shared>>)
      %dma_wait3A_740 = arith.constant 1 : i32
      %dma_wait3A_741 = arith.constant 368 : i32
      %dma_wait3A_742 = arith.constant 0 : i32
      %dma_wait3A_743 = tpu.memref_slice %arg5[%dma_wait3A_741, %dma_wait3A_742] : memref<640x16xf32, #tpu.memory_space<vmem>> -> memref<128x16xf32, #tpu.memory_space<vmem>>
      %dma_wait3A_744 = arith.constant 0 : i32
      %dma_wait3A_745 = tpu.memref_slice %arg6[%dma_wait3A_740, %dma_wait3A_744] : memref<5x128xi32, #tpu.memory_space<vmem>> -> memref<1x128xi32, #tpu.memory_space<vmem>>
      %dma_wait3A_746 = tpu.memref_squeeze %dma_wait3A_745 : memref<1x128xi32, #tpu.memory_space<vmem>> -> memref<128xi32, #tpu.memory_space<vmem>>
      %dma_wait3A_747 = arith.constant 0 : i32
      %dma_wait3A_748 = arith.constant 0 : i32
      %dma_wait3A_749 = tpu.memref_slice %arg11[%dma_wait3A_747, %dma_wait3A_748] : memref<256x16xf32, #tpu.memory_space<vmem_shared>> -> memref<256x16xf32, #tpu.memory_space<vmem_shared>>
      tpu.wait_indirect_dma semaphore(%arg12 : memref<!tpu.dma_semaphore, #tpu.memory_space<semaphore_mem>>) src(%dma_wait3A_743 : memref<128x16xf32, #tpu.memory_space<vmem>>) dst(%dma_wait3A_749 : memref<256x16xf32, #tpu.memory_space<vmem_shared>>)
      %dma_wait3A_750 = arith.constant 2 : i32
      %dma_wait3A_751 = arith.constant 496 : i32
      %dma_wait3A_752 = arith.constant 0 : i32
      %dma_wait3A_753 = tpu.memref_slice %arg5[%dma_wait3A_751, %dma_wait3A_752] : memref<640x16xf32, #tpu.memory_space<vmem>> -> memref<128x16xf32, #tpu.memory_space<vmem>>
      %dma_wait3A_754 = arith.constant 0 : i32
      %dma_wait3A_755 = tpu.memref_slice %arg6[%dma_wait3A_750, %dma_wait3A_754] : memref<5x128xi32, #tpu.memory_space<vmem>> -> memref<1x128xi32, #tpu.memory_space<vmem>>
      %dma_wait3A_756 = tpu.memref_squeeze %dma_wait3A_755 : memref<1x128xi32, #tpu.memory_space<vmem>> -> memref<128xi32, #tpu.memory_space<vmem>>
      %dma_wait3A_757 = arith.constant 0 : i32
      %dma_wait3A_758 = arith.constant 0 : i32
      %dma_wait3A_759 = tpu.memref_slice %arg11[%dma_wait3A_757, %dma_wait3A_758] : memref<256x16xf32, #tpu.memory_space<vmem_shared>> -> memref<256x16xf32, #tpu.memory_space<vmem_shared>>
      tpu.wait_indirect_dma semaphore(%arg12 : memref<!tpu.dma_semaphore, #tpu.memory_space<semaphore_mem>>) src(%dma_wait3A_753 : memref<128x16xf32, #tpu.memory_space<vmem>>) dst(%dma_wait3A_759 : memref<256x16xf32, #tpu.memory_space<vmem_shared>>)
      %dma_wait3A_760 = arith.constant 624 : i32
      %dma_wait3A_761 = arith.constant 0 : i32
      %dma_wait3A_762 = tpu.memref_slice %arg5[%dma_wait3A_760, %dma_wait3A_761] : memref<640x16xf32, #tpu.memory_space<vmem>> -> memref<16x16xf32, #tpu.memory_space<vmem>>
      %dma_wait3A_763 = arith.constant 0 : i32
      %dma_wait3A_764 = arith.constant 0 : i32
      %dma_wait3A_765 = tpu.memref_slice %arg11[%dma_wait3A_763, %dma_wait3A_764] : memref<256x16xf32, #tpu.memory_space<vmem_shared>> -> memref<256x16xf32, #tpu.memory_space<vmem_shared>>
      tpu.wait_indirect_dma semaphore(%arg12 : memref<!tpu.dma_semaphore, #tpu.memory_space<semaphore_mem>>) src(%dma_wait3A_762 : memref<16x16xf32, #tpu.memory_space<vmem>>) dst(%dma_wait3A_765 : memref<256x16xf32, #tpu.memory_space<vmem_shared>>)
    } else {
    }
    %barrier3A_614 = arith.constant 0 : index
    tpu.barrier barrier_id(%barrier3A_614)
    "tpu.region"() ({
      %run_scoped3A = tpu.sem_alloc : memref<!tpu.dma_semaphore, #tpu.memory_space<semaphore_mem>>
      %dma_start3A_619 = arith.constant 0 : i32
      %dma_start3A_620 = tpu.memref_slice %arg11[%mul3A_593, %dma_start3A_619] : memref<256x16xf32, #tpu.memory_space<vmem_shared>> -> memref<16x16xf32, #tpu.memory_space<vmem_shared>>
      %dma_start3A_621 = arith.constant 0 : i32
      %dma_start3A_622 = tpu.memref_slice %arg11[%mul3A_593, %dma_start3A_621] : memref<256x16xf32, #tpu.memory_space<vmem_shared>> -> memref<16x16xf32, #tpu.memory_space<vmem_shared>>
      tpu.enqueue_dma source(%dma_start3A_622 : memref<16x16xf32, #tpu.memory_space<vmem_shared>>) target(%arg9 : memref<16x16xf32, #tpu.memory_space<vmem>>) target_semaphore(%run_scoped3A : memref<!tpu.dma_semaphore, #tpu.memory_space<semaphore_mem>>)
      %dma_wait3A_623 = arith.constant 0 : i32
      %dma_wait3A_624 = tpu.memref_slice %arg11[%mul3A_593, %dma_wait3A_623] : memref<256x16xf32, #tpu.memory_space<vmem_shared>> -> memref<16x16xf32, #tpu.memory_space<vmem_shared>>
      %dma_wait3A_625 = arith.constant 0 : i32
      %dma_wait3A_626 = tpu.memref_slice %arg11[%mul3A_593, %dma_wait3A_625] : memref<256x16xf32, #tpu.memory_space<vmem_shared>> -> memref<16x16xf32, #tpu.memory_space<vmem_shared>>
      tpu.wait_dma2 semaphore(%run_scoped3A : memref<!tpu.dma_semaphore, #tpu.memory_space<semaphore_mem>>) src(%dma_wait3A_626 : memref<16x16xf32, #tpu.memory_space<vmem_shared>>) dst(%arg9 : memref<16x16xf32, #tpu.memory_space<vmem>>)
      tpu.yield
    }) : () -> ()
    %gather3A = tpu.vector_load_idx %arg9[%iota3A, %mul3A_1] : memref<16x16xf32, #tpu.memory_space<vmem>>[vector<16xi32>, vector<16xi32>], vector<16xf32>,
    %gather3A_615 = tpu.vector_load_idx %arg9[%iota3A, %add3A_605] : memref<16x16xf32, #tpu.memory_space<vmem>>[vector<16xi32>, vector<16xi32>], vector<16xf32>,
    %add3A_616 = arith.constant 1.000000e+00 : f32
    %add3A_617 = vector.broadcast %add3A_616 : f32 to vector<16xf32>
    %add3A_618 = arith.addf %gather3A_615, %add3A_617 : vector<16xf32>
    %div3A = arith.divf %gather3A, %add3A_618 : vector<16xf32>
    tpu.vector_store_idx %arg10[%iota3A, %mul3A_1], %div3A : memref<16x128xf32, #tpu.memory_space<vmem>>[vector<16xi32>, vector<16xi32>], vector<16xf32>,
    "tpu.region"() ({
      %run_scoped3A = tpu.sem_alloc : memref<!tpu.dma_semaphore, #tpu.memory_space<semaphore_mem>>
      %dma_start3A_619 = arith.constant 0 : i32
      %dma_start3A_620 = tpu.memref_slice %arg4[%mul3A_593, %dma_start3A_619] : memref<256x128xf32, #tpu.memory_space<hbm>> -> memref<16x128xf32, #tpu.memory_space<hbm>>
      %dma_start3A_621 = arith.constant 0 : i32
      %dma_start3A_622 = tpu.memref_slice %arg4[%mul3A_593, %dma_start3A_621] : memref<256x128xf32, #tpu.memory_space<hbm>> -> memref<16x128xf32, #tpu.memory_space<hbm>>
      tpu.enqueue_dma source(%arg10 : memref<16x128xf32, #tpu.memory_space<vmem>>) target(%dma_start3A_622 : memref<16x128xf32, #tpu.memory_space<hbm>>) target_semaphore(%run_scoped3A : memref<!tpu.dma_semaphore, #tpu.memory_space<semaphore_mem>>)
      %dma_wait3A_623 = arith.constant 0 : i32
      %dma_wait3A_624 = tpu.memref_slice %arg4[%mul3A_593, %dma_wait3A_623] : memref<256x128xf32, #tpu.memory_space<hbm>> -> memref<16x128xf32, #tpu.memory_space<hbm>>
      %dma_wait3A_625 = arith.constant 0 : i32
      %dma_wait3A_626 = tpu.memref_slice %arg4[%mul3A_593, %dma_wait3A_625] : memref<256x128xf32, #tpu.memory_space<hbm>> -> memref<16x128xf32, #tpu.memory_space<hbm>>
      tpu.wait_dma2 semaphore(%run_scoped3A : memref<!tpu.dma_semaphore, #tpu.memory_space<semaphore_mem>>) src(%arg10 : memref<16x128xf32, #tpu.memory_space<vmem>>) dst(%dma_wait3A_626 : memref<16x128xf32, #tpu.memory_space<hbm>>)
      tpu.yield
    }) : () -> ()
    return
  }
}

</mosaic_0001>

<sc_bundles>
// kernel: kernel.3.cloned.1.call-start
scs
__scs_entry_jumppad:
0x0: {  	(pc) =	sbr.rel $0x88, $3  }
0x1: {  	(tag) =	ssettag $0x0;
	lr =	simm.s32 $0x1  }
0x2: {  	[smem:$0x3F9F] =	sst lr;
	_ =	strace $0xD0000000  }
0x3: {  	_ = 	snop  }
0x4: {  	_ = 	snop  }
0x5: {  	_ = 	snop  }
0x6: {  	_ = 	snop  }
0x7: {  	_ = 	snop  }
__scs_overlays_trampoline_lowered:
0x8: {  	[smem:$0x3FAE] =	sst s0  }
0x9: {  	[smem:$0x3FAF] =	sst s1  }
0xa: {  	[smem:$0x3FB0] =	sst s2  }
0xb: {  	[smem:$0x3FB1] =	sst s3  }
0xc: {  	[smem:$0x3FB2] =	sst s4  }
0xd: {  	[smem:$0x3FB3] =	sst s5  }
0xe: {  	[smem:$0x3FB4] =	sst s6  }
0xf: {  	[smem:$0x3FB5] =	sst s7  }
0x10: {  	[smem:$0x3FB6] =	sst s8  }
0x11: {  	[smem:$0x3FB7] =	sst s9;
	s0 =	simm.s32 @!p0 $0x0  }
0x12: {  	s1 =	sld [smem:$0x3F9D];
	s0 =	simm.s32 @p0 $0x1  }
0x13: {  	[smem:$0x3FB8] =	sst s0;
	s0 =	simm.s32 @!p1 $0x0  }
0x14: {  	s2 =	sld [smem:$0x3F9C];
	s0 =	simm.s32 @p1 $0x1  }
0x15: {  	[smem:$0x3FB9] =	sst s0;
	s0 =	simm.s32 @!p2 $0x0  }
0x16: {  	s3 =	sld [smem:$0x3FDB];
	s0 =	simm.s32 @p2 $0x1  }
0x17: {  	s4 =	simm.s32 $0x1BF5;
	[smem:$0x3FBB] =	sst s0  }
0x18: {  	s0 =	sld [smem:$0x3F9E];
	_ =	swait.ge [sflag:s4], $0x0  }
0x19: {  	s7 =	sld [smem:$0x3F9F]  }
0x1a: {  	s8 =	sadd.s32 $0xFFFFE003, lr  }
0x1b: {  	s9 =	sadd.s32 $0xFFFFFEF7, lr;
	s5 =	simm.s32 $0xFFFFFFFF;
	p2 =	slt.u32 s8, $0xFFFFF086  }
0x1c: {  	p1 =	slt.u32 s9, $0xF7A;
	s5 =	simm.s32 @!p2 $0x0  }
0x1d: {  	s5 =	simm.s32 @p1 $0x1;
	p0 =	seq.s32 s7, s2  }
0x1e: {  	s7 =	smul.u32 @!p0 $0xF7A, s2;
	p2 =	seq.s32 @!p0 s5, $0x0  }
0x1f: {  	s9 =	smul.u32 $0xF7A, s1;
	s8 =	simm.s32 @!p0 $0x1BF5;
	p2 =	por !p2, p0  }
0x20: {  	[sflag:s8] =	ssyncset.s32 @!p0 $0xFFFFF086;
	s6 =	sadd.s32 @!p0 s3, s7;
	s7 =	simm.s32 @!p0 $0x108  }
0x21: {  	s3 =	sadd.s32 s3, s9;
	s6 =	sadd.s32 @!p0 $0x88, s6;
	s7 =	simm.s32 @p2 $0x1082  }
0x22: {  	[simem:s7], [sflag:s8] =	dma.local @!p0 [hbm:s6], $0xF7A  }
0x23: {  	s9 =	sor.u32 $0xD0000000, s2;
	s6 =	simm.s32 $0x108;
	_ =	swait.ge @!p0 [sflag:s8], $0x0  }
0x24: {  	s3 =	sadd.s32 $0x88, s3;
	s6 =	simm.s32 @!p1 $0x1082;
	[sflag:s4] =	ssyncset.s32 $0xFFFFF086  }
0x25: {  	[simem:s6], [sflag:s4] =	dma.local [hbm:s3], $0xF7A  }
0x26: {  	[smem:$0x3F9F] =	sst s1;
	(tag) =	ssettag s2;
	_ =	strace s9  }
0x27: {  	s1 =	sld [smem:$0x3FAF]  }
0x28: {  	s2 =	sld [smem:$0x3FB0]  }
0x29: {  	s4 =	sld [smem:$0x3FB2]  }
0x2a: {  	p0 =	seq.s32 s5, $0x0;
	s5 =	sld [smem:$0x3FB3]  }
0x2b: {  	s6 =	sld [smem:$0x3FB4]  }
0x2c: {  	s7 =	sld [smem:$0x3FB5]  }
0x2d: {  	s3 =	simm.s32 $0x108;
	s8 =	sld [smem:$0x3FB6]  }
0x2e: {  	s3 =	simm.s32 @!p0 $0x1082;
	s9 =	sld [smem:$0x3FB7]  }
0x2f: {  	lr =	sadd.s32 s0, s3;
	s0 =	sld [smem:$0x3FAE]  }
0x30: {  	s3 =	sld [smem:$0x3FB1]  }
0x31: {  	[smem:$0x3FBA] =	sst s10  }
0x32: {  	s10 =	sld [smem:$0x3FB8];
	_ =	sdelay $0x3  }
0x33: {  	p0 =	seq.s32 s10, $0x1;
	s10 =	sld [smem:$0x3FBA];
	_ =	sdelay $0x3  }
0x34: {  	[smem:$0x3FBA] =	sst s10  }
0x35: {  	s10 =	sld [smem:$0x3FB9];
	_ =	sdelay $0x3  }
0x36: {  	p1 =	seq.s32 s10, $0x1;
	s10 =	sld [smem:$0x3FBA];
	_ =	sdelay $0x3  }
0x37: {  	[smem:$0x3FBA] =	sst s10  }
0x38: {  	s10 =	sld [smem:$0x3FBB]  }
0x39: {  	_ = 	snop;
	(pc) =	sbr.ind lr, $3  }
0x3a: {  	_ = 	snop  }
0x3b: {  	_ = 	snop  }
0x3c: {  	p2 =	seq.s32 s10, $0x1;
	s10 =	sld [smem:$0x3FBA]  }
0x3d: {  	_ =	shalt  }
0x3e: {  	_ =	shalt  }
0x3f: {  	_ =	shalt  }
0x40: {  	_ =	shalt  }
0x41: {  	_ =	shalt  }
0x42: {  	_ =	shalt  }
0x43: {  	_ =	shalt  }
0x44: {  	_ =	shalt  }
0x45: {  	_ =	shalt  }
0x46: {  	_ =	shalt  }
0x47: {  	_ =	shalt  }
0x48: {  	_ =	shalt  }
0x49: {  	_ =	shalt  }
0x4a: {  	_ =	shalt  }
0x4b: {  	_ =	shalt  }
0x4c: {  	_ =	shalt  }
0x4d: {  	_ =	shalt  }
0x4e: {  	_ =	shalt  }
0x4f: {  	_ =	shalt  }
0x50: {  	_ =	shalt  }
0x51: {  	_ =	shalt  }
0x52: {  	_ =	shalt  }
0x53: {  	_ =	shalt  }
0x54: {  	_ =	shalt  }
0x55: {  	_ =	shalt  }
0x56: {  	_ =	shalt  }
0x57: {  	_ =	shalt  }
0x58: {  	_ =	shalt  }
0x59: {  	_ =	shalt  }
0x5a: {  	_ =	shalt  }
0x5b: {  	_ =	shalt  }
0x5c: {  	_ =	shalt  }
0x5d: {  	_ =	shalt  }
0x5e: {  	_ =	shalt  }
0x5f: {  	_ =	shalt  }
0x60: {  	_ =	shalt  }
0x61: {  	_ =	shalt  }
0x62: {  	_ =	shalt  }
0x63: {  	_ =	shalt  }
0x64: {  	_ =	shalt  }
0x65: {  	_ =	shalt  }
0x66: {  	_ =	shalt  }
0x67: {  	_ =	shalt  }
0x68: {  	_ =	shalt  }
0x69: {  	_ =	shalt  }
0x6a: {  	_ =	shalt  }
0x6b: {  	_ =	shalt  }
0x6c: {  	_ =	shalt  }
0x6d: {  	_ =	shalt  }
0x6e: {  	_ =	shalt  }
0x6f: {  	_ =	shalt  }
0x70: {  	_ =	shalt  }
0x71: {  	_ =	shalt  }
0x72: {  	_ =	shalt  }
0x73: {  	_ =	shalt  }
0x74: {  	_ =	shalt  }
0x75: {  	_ =	shalt  }
0x76: {  	_ =	shalt  }
0x77: {  	_ =	shalt  }
0x78: {  	_ =	shalt  }
0x79: {  	_ =	shalt  }
0x7a: {  	_ =	shalt  }
0x7b: {  	_ =	shalt  }
0x7c: {  	_ =	shalt  }
0x7d: {  	_ =	shalt  }
0x7e: {  	_ =	shalt  }
0x7f: {  	_ =	shalt  }
0x80: {  	_ =	shalt  }
0x81: {  	_ =	shalt  }
0x82: {  	_ =	shalt  }
0x83: {  	_ =	shalt  }
0x84: {  	_ =	shalt  }
0x85: {  	_ =	shalt  }
0x86: {  	_ =	shalt  }
0x87: {  	_ =	shalt  }
.Lfunc_end0:
.L_simem_size_0:
called_computation_lowered:
.L_overlay_start_0:
0x88: {  	s0 =	sld [smem:$0x3FD9]  }
0x89: {  	s1 =	sld [smem:$0x3FFE];
	_ =	sdelay $0x3  }
0x8a: {  	s0 =	sadd.s32 s1, s0  }
0x8b: {  	[smem:$0x3FC6] =	sst s0  }
0x8c: {  	_ = 	snop  }
0x8d: {  	s0 =	sld [smem:$0x3FC9]  }
0x8e: {  	s17 =	sld [smem:$0x3FC8]  }
0x8f: {  	s2 =	sld [smem:$0x3FD0];
	(tm) =	ssettm $0x1  }
0x90: {  	s3 =	sld [smem:$0x3FFB];
	_ =	sdelay $0x3  }
0x91: {  	_ =	strace s3  }
0x92: {  	s3 =	sld [smem:$0x3FFC];
	_ =	sdelay $0x3  }
0x93: {  	_ =	strace s3  }
0x94: {  	s3 =	sld [smem:$0x3FFD];
	_ =	sdelay $0x3  }
0x95: {  	_ =	strace s3  }
0x96: {  	_ =	strace $0x8FFFFFFF  }
0x97: {  	s18 =	sld [smem:$0x3FDB];
	_ =	sdelay $0x1  }
0x98: {  	s4 =	simm.s32 $_scs_section_size  }
0x99: {  	s5 =	simm.s32 $_size__tile_overlayer_lowered;
	s6 =	simm.s32 $_tile_overlayer_lowered  }
0x9a: {  	s21 =	simm.s32 $0x1BFF;
	s20 =	sshll.u32 s6, $0x1;
	s3 =	sadd.s32 s4, s18  }
0x9b: {  	s7 =	simm.s32 $0x0;
	s19 =	sshll.u32 s5, $0x1;
	s5 =	sadd.s32 s20, s3  }
0x9c: {  	[timem:s7], [sflag:s21] =	dma.local [hbm:s5], s19  }
0x9d: {  	_ =	swait.ge [sflag:s21], s19  }
0x9e: {  	s4 =	ssub.s32 $0x0, s19;
	[sflag:s21] =	ssyncset.done $0x0  }
0x9f: {  	[sflag:s21] =	ssyncadd.s32 s4;
	_ =	sdelay $0x1  }
0xa0: {  	s22 =	simm.s32 $0x1B8B  }
0xa1: {  	_ =	swait.ge [sflag:s22], $0x1  }
0xa2: {  	[sflag:s22] =	ssyncset.done $0x0  }
0xa3: {  	s23 =	simm.s32 $0x1B8E;
	[sflag:s22] =	ssyncadd.s32 $0xFFFFFFFF  }
0xa4: {  	s24 =	simm.s32 $execute0_lowered;
	[smem:$0x3FD2] =	sst s23  }
0xa5: {  	s4 =	sshll.u32 s24, $0x1;
	_ =	strace $0x80000046;
	[dreg:$0x1] =	wrdreg $0xFFFFFFFF  }
0xa6: {  	s25 =	simm.s32 $_size_execute0_lowered;
	s3 =	sadd.s32 s3, s4;
	[dreg:$0x0] =	wrdreg $0x0  }
0xa7: {  	s4 =	sshll.u32 s25, $0x1;
	[dreg:$0x2] =	wrdreg s3  }
0xa8: {  	[dreg:$0x3] =	wrdreg s4  }
0xa9: {  	[dreg:$0x4] =	wrdreg $0xC0  }
0xaa: {  	_ =	task [dreg:s7], $0x5FFFF  }
0xab: {  	[dreg:$0x1] =	wrdreg $0xFFFFFFFF  }
0xac: {  	[dreg:$0x0] =	wrdreg $0x60  }
0xad: {  	[dreg:$0x2] =	wrdreg s0  }
0xae: {  	[dreg:$0x3] =	wrdreg s17  }
0xaf: {  	[dreg:$0x4] =	wrdreg s2  }
0xb0: {  	[dreg:$0x5] =	wrdreg $0x34900  }
0xb1: {  	[dreg:$0x6] =	wrdreg $0x9  }
0xb2: {  	_ =	task.clear_ibuf [dreg:s7], $0x7FFFF;
	_ =	strace $0x90000046  }
0xb3: {  	s26 =	simm.s32 $0x9;
	_ =	strace $0x80000048  }
0xb4: {  	_ =	swait.ge [sflag:s26], $0x1  }
0xb5: {  	[sflag:s26] =	ssyncadd.s32 $0xFFFFFFFF  }
0xb6: {  	_ =	strace $0x90000048  }
0xb7: {  	_ =	sfence  }
0xb8: {  	s28 =	sld [smem:$0x0];
	_ =	sdelay $0x1  }
0xb9: {  	s29 =	srdreg.scid  }
0xba: {  	s30 =	sshll.u32 s29, $0xD;
	s31 =	sshrl.u32 s29, $0x2  }
0xbb: {  	s1 =	sand.u32 $0x1, s29;
	s2 =	sand.u32 $0x4000, s30;
	s0 =	sadd.s32 s31, s28  }
0xbc: {  	s1 =	sor.u32 s2, s1;
	s0 =	sshll.u32 s0, $0x11  }
0xbd: {  	s0 =	sor.u32 s0, s1  }
0xbe: {  	s0 =	sadd.s32 $0x8F2B, s0  }
0xbf: {  	[sflag:s0] =	ssyncadd.remote.s32 $0x1  }
0xc0: {  	_ =	sfence.sel $0xFFFF  }
0xc1: {  	[dreg:$0x0] =	wrdreg $0xFFFFFFFF;
	(pc) =	sbr.abs _section_cstart, $3  }
0xc2: {  	[dreg:$0x1] =	wrdreg $0xFFFFFFFF  }
0xc3: {  	_ =	task.clear_ibuf [dreg:s7], $0x2FFFF;
	_ =	strace $0x9FFFFFFF  }
0xc4: {  	(tm) =	ssettm $0x7FFFFFFF  }
0xc5: {  	_ =	shalt  }
tec
execute0_lowered:
.L_overlay_start_1:
0x0: {  	(tag) =	ssettag $0x1  }
0x1: {  	s3 =	rddreg [dreg:$0x0]  }
0x2: {  	s8 =	rddreg [dreg:$0x1]  }
0x3: {  	s7 =	rddreg [dreg:$0x2];
	s1 =	stileid.u32  }
0x4: {  	s2 =	rddreg [dreg:$0x3];
	s4 =	simm.s32 $0x0;
	s5 =	smul.u32 $0x2800, s1  }
0x5: {  	[smem:$0x7FF] =	sst s4;
	p0 =	seq.s32 s1, $0xF  }
0x6: {  	s0 =	rddreg [dreg:$0x4];
	_ =	strace $0x80000047;
	s5 =	simm.s32 @p0 $0x24900  }
0x7: {  	s6 =	sadd.s32 s3, s5;
	s5 =	simm.s32 $0x10;
	s3 =	simm.s32 $0x80  }
0x8: {  	v0 =	vimm.f32 $0.0e+00;
	[tilespmem:s4], [sflag:$0x1] =	stream.strided.gather [hbm4b:s6+s5], $0x2800, s3, s5, $0x38;
	[tilespmem:$0x3590] =	vst v63  }
0x9: {  	[tilespmem:$0x2A90] =	vst v0  }
0xa: {  	[tilespmem:$0x2AA0] =	vst v0  }
0xb: {  	[tilespmem:$0x2AB0] =	vst v0  }
0xc: {  	[tilespmem:$0x2AC0] =	vst v0  }
0xd: {  	[tilespmem:$0x2AD0] =	vst v0  }
0xe: {  	[tilespmem:$0x2AE0] =	vst v0  }
0xf: {  	[tilespmem:$0x2AF0] =	vst v0  }
0x10: {  	[tilespmem:$0x2B00] =	vst v0  }
0x11: {  	[tilespmem:$0x2B10] =	vst v0  }
0x12: {  	[tilespmem:$0x2B20] =	vst v0  }
0x13: {  	[tilespmem:$0x2B30] =	vst v0  }
0x14: {  	[tilespmem:$0x2B40] =	vst v0  }
0x15: {  	[tilespmem:$0x2B50] =	vst v0  }
0x16: {  	[tilespmem:$0x2B60] =	vst v0  }
0x17: {  	[tilespmem:$0x2B70] =	vst v0  }
0x18: {  	[tilespmem:$0x2B80] =	vst v0  }
0x19: {  	[tilespmem:$0x2C90] =	vst v0  }
0x1a: {  	[tilespmem:$0x2D10] =	vst v0  }
0x1b: {  	[tilespmem:$0x2D90] =	vst v0  }
0x1c: {  	[tilespmem:$0x2E10] =	vst v0  }
0x1d: {  	[tilespmem:$0x2E90] =	vst v0  }
0x1e: {  	[tilespmem:$0x2F10] =	vst v0  }
0x1f: {  	[tilespmem:$0x2F90] =	vst v0  }
0x20: {  	[tilespmem:$0x3010] =	vst v0  }
0x21: {  	[tilespmem:$0x3090] =	vst v0  }
0x22: {  	[tilespmem:$0x3110] =	vst v0  }
0x23: {  	[tilespmem:$0x3190] =	vst v0  }
0x24: {  	[tilespmem:$0x3210] =	vst v0  }
0x25: {  	[tilespmem:$0x3290] =	vst v0  }
0x26: {  	[tilespmem:$0x3310] =	vst v0  }
0x27: {  	[tilespmem:$0x3390] =	vst v0  }
0x28: {  	[tilespmem:$0x3410] =	vst v0  }
0x29: {  	[tilespmem:$0x2CA0] =	vst v0  }
0x2a: {  	[tilespmem:$0x2D20] =	vst v0  }
0x2b: {  	[tilespmem:$0x2DA0] =	vst v0  }
0x2c: {  	[tilespmem:$0x2E20] =	vst v0  }
0x2d: {  	[tilespmem:$0x2EA0] =	vst v0  }
0x2e: {  	[tilespmem:$0x2F20] =	vst v0  }
0x2f: {  	[tilespmem:$0x2FA0] =	vst v0  }
0x30: {  	[tilespmem:$0x3020] =	vst v0  }
0x31: {  	[tilespmem:$0x30A0] =	vst v0  }
0x32: {  	[tilespmem:$0x3120] =	vst v0  }
0x33: {  	[tilespmem:$0x31A0] =	vst v0  }
0x34: {  	[tilespmem:$0x3220] =	vst v0  }
0x35: {  	[tilespmem:$0x32A0] =	vst v0  }
0x36: {  	[tilespmem:$0x3320] =	vst v0  }
0x37: {  	[tilespmem:$0x33A0] =	vst v0  }
0x38: {  	[tilespmem:$0x3420] =	vst v0  }
0x39: {  	[tilespmem:$0x2CB0] =	vst v0  }
0x3a: {  	[tilespmem:$0x2D30] =	vst v0  }
0x3b: {  	[tilespmem:$0x2DB0] =	vst v0  }
0x3c: {  	[tilespmem:$0x2E30] =	vst v0  }
0x3d: {  	[tilespmem:$0x2EB0] =	vst v0  }
0x3e: {  	[tilespmem:$0x2F30] =	vst v0  }
0x3f: {  	[tilespmem:$0x2FB0] =	vst v0  }
0x40: {  	[tilespmem:$0x3030] =	vst v0  }
0x41: {  	[tilespmem:$0x30B0] =	vst v0  }
0x42: {  	[tilespmem:$0x3130] =	vst v0  }
0x43: {  	[tilespmem:$0x31B0] =	vst v0  }
0x44: {  	[tilespmem:$0x3230] =	vst v0  }
0x45: {  	[tilespmem:$0x32B0] =	vst v0  }
0x46: {  	[tilespmem:$0x3330] =	vst v0  }
0x47: {  	[tilespmem:$0x33B0] =	vst v0  }
0x48: {  	[tilespmem:$0x3430] =	vst v0  }
0x49: {  	[tilespmem:$0x2CC0] =	vst v0  }
0x4a: {  	[tilespmem:$0x2D40] =	vst v0  }
0x4b: {  	[tilespmem:$0x2DC0] =	vst v0  }
0x4c: {  	[tilespmem:$0x2E40] =	vst v0  }
0x4d: {  	[tilespmem:$0x2EC0] =	vst v0  }
0x4e: {  	[tilespmem:$0x2F40] =	vst v0  }
0x4f: {  	[tilespmem:$0x2FC0] =	vst v0  }
0x50: {  	[tilespmem:$0x3040] =	vst v0  }
0x51: {  	[tilespmem:$0x30C0] =	vst v0  }
0x52: {  	[tilespmem:$0x3140] =	vst v0  }
0x53: {  	[tilespmem:$0x31C0] =	vst v0  }
0x54: {  	[tilespmem:$0x3240] =	vst v0  }
0x55: {  	[tilespmem:$0x32C0] =	vst v0  }
0x56: {  	[tilespmem:$0x3340] =	vst v0  }
0x57: {  	[tilespmem:$0x33C0] =	vst v0  }
0x58: {  	[tilespmem:$0x3440] =	vst v0  }
0x59: {  	[tilespmem:$0x2CD0] =	vst v0  }
0x5a: {  	[tilespmem:$0x2D50] =	vst v0  }
0x5b: {  	[tilespmem:$0x2DD0] =	vst v0  }
0x5c: {  	[tilespmem:$0x2E50] =	vst v0  }
0x5d: {  	[tilespmem:$0x2ED0] =	vst v0  }
0x5e: {  	[tilespmem:$0x2F50] =	vst v0  }
0x5f: {  	[tilespmem:$0x2FD0] =	vst v0  }
0x60: {  	[tilespmem:$0x3050] =	vst v0  }
0x61: {  	[tilespmem:$0x30D0] =	vst v0  }
0x62: {  	[tilespmem:$0x3150] =	vst v0  }
0x63: {  	[tilespmem:$0x31D0] =	vst v0  }
0x64: {  	[tilespmem:$0x3250] =	vst v0  }
0x65: {  	[tilespmem:$0x32D0] =	vst v0  }
0x66: {  	[tilespmem:$0x3350] =	vst v0  }
0x67: {  	[tilespmem:$0x33D0] =	vst v0  }
0x68: {  	[tilespmem:$0x3450] =	vst v0  }
0x69: {  	[tilespmem:$0x2CE0] =	vst v0  }
0x6a: {  	[tilespmem:$0x2D60] =	vst v0  }
0x6b: {  	[tilespmem:$0x2DE0] =	vst v0  }
0x6c: {  	[tilespmem:$0x2E60] =	vst v0  }
0x6d: {  	[tilespmem:$0x2EE0] =	vst v0  }
0x6e: {  	[tilespmem:$0x2F60] =	vst v0  }
0x6f: {  	[tilespmem:$0x2FE0] =	vst v0  }
0x70: {  	[tilespmem:$0x3060] =	vst v0  }
0x71: {  	[tilespmem:$0x30E0] =	vst v0  }
0x72: {  	[tilespmem:$0x3160] =	vst v0  }
0x73: {  	[tilespmem:$0x31E0] =	vst v0  }
0x74: {  	[tilespmem:$0x3260] =	vst v0  }
0x75: {  	[tilespmem:$0x32E0] =	vst v0  }
0x76: {  	[tilespmem:$0x3360] =	vst v0  }
0x77: {  	[tilespmem:$0x33E0] =	vst v0  }
0x78: {  	[tilespmem:$0x3460] =	vst v0  }
0x79: {  	[tilespmem:$0x2CF0] =	vst v0  }
0x7a: {  	[tilespmem:$0x2D70] =	vst v0  }
0x7b: {  	[tilespmem:$0x2DF0] =	vst v0  }
0x7c: {  	[tilespmem:$0x2E70] =	vst v0  }
0x7d: {  	[tilespmem:$0x2EF0] =	vst v0  }
0x7e: {  	[tilespmem:$0x2F70] =	vst v0  }
0x7f: {  	[tilespmem:$0x2FF0] =	vst v0  }
0x80: {  	[tilespmem:$0x3070] =	vst v0  }
0x81: {  	[tilespmem:$0x30F0] =	vst v0  }
0x82: {  	[tilespmem:$0x3170] =	vst v0  }
0x83: {  	[tilespmem:$0x31F0] =	vst v0  }
0x84: {  	[tilespmem:$0x3270] =	vst v0  }
0x85: {  	[tilespmem:$0x32F0] =	vst v0  }
0x86: {  	[tilespmem:$0x3370] =	vst v0  }
0x87: {  	[tilespmem:$0x33F0] =	vst v0  }
0x88: {  	[tilespmem:$0x3470] =	vst v0  }
0x89: {  	[tilespmem:$0x2D00] =	vst v0  }
0x8a: {  	[tilespmem:$0x2D80] =	vst v0  }
0x8b: {  	[tilespmem:$0x2E00] =	vst v0  }
0x8c: {  	[tilespmem:$0x2E80] =	vst v0  }
0x8d: {  	[tilespmem:$0x2F00] =	vst v0  }
0x8e: {  	[tilespmem:$0x2F80] =	vst v0  }
0x8f: {  	[tilespmem:$0x3000] =	vst v0  }
0x90: {  	[tilespmem:$0x3080] =	vst v0  }
0x91: {  	[tilespmem:$0x3100] =	vst v0  }
0x92: {  	[tilespmem:$0x3180] =	vst v0  }
0x93: {  	[tilespmem:$0x3200] =	vst v0  }
0x94: {  	[tilespmem:$0x3280] =	vst v0  }
0x95: {  	[tilespmem:$0x3300] =	vst v0  }
0x96: {  	[tilespmem:$0x3380] =	vst v0  }
0x97: {  	s9 =	sshll.u32 s1, $0x8;
	[tilespmem:$0x3400] =	vst v0  }
0x98: {  	s10 =	simm.s32 $0x2A90;
	s31 =	simm.s32 $0x2;
	s6 =	sadd.s32 s9, s2;
	[tilespmem:$0x3480] =	vst v0  }
0x99: {  	[spmem:s6] =	stream.linear.scatter [tilespmem:s10], [sflag:$0x2], $0x100, $0x38;
	[tilespmem:$0x3590] =	vst v63  }
0x9a: {  	_ =	swait.ge [sflag:s31], $0x100  }
0x9b: {  	s11 =	simm.s32 @p0 $0x0;
	[sflag:s31] =	ssyncset.done $0x0  }
0x9c: {  	s12 =	simm.s32 @p0 $0x2800;
	s10 =	sadd.s32 @p0 $0x4B0, s8;
	[sflag:s31] =	ssyncadd.s32 $0xFFFFFF00  }
0x9d: {  	[tilespmem:s12], [sflag:$0x1] =	stream.linear.gather @p0 [hbm4b:s10+s11], $0x80, $0x38;
	[tilespmem:$0x3590] =	vst v63  }
0x9e: {  	s10 =	sadd.s32 @p0 $0x4C0, s8;
	s12 =	simm.s32 @p0 $0x2880  }
0x9f: {  	[tilespmem:s12], [sflag:$0x1] =	stream.linear.gather @p0 [hbm4b:s10+s11], $0x80, $0x38;
	[tilespmem:$0x3590] =	vst v63  }
0xa0: {  	s10 =	sadd.s32 @p0 $0x4D0, s8;
	s12 =	simm.s32 @p0 $0x2900  }
0xa1: {  	[tilespmem:s12], [sflag:$0x1] =	stream.linear.gather @p0 [hbm4b:s10+s11], $0x80, $0x38;
	[tilespmem:$0x3590] =	vst v63  }
0xa2: {  	s10 =	sadd.s32 @p0 $0x4E0, s8;
	s12 =	simm.s32 @p0 $0x2A80  }
0xa3: {  	[tilespmem:s12], [sflag:$0x1] =	stream.linear.gather @p0 [hbm4b:s10+s11], $0x10, $0x38;
	[tilespmem:$0x3590] =	vst v63  }
0xa4: {  	s10 =	simm.s32 @p0 $0x1  }
0xa5: {  	_ =	swait.ge @p0 [sflag:s10], $0x80  }
0xa6: {  	[sflag:s10] =	ssyncset.done @p0 $0x0  }
0xa7: {  	[sflag:s10] =	ssyncadd.s32 @p0 $0xFFFFFF80  }
0xa8: {  	_ =	swait.ge @p0 [sflag:s10], $0x80  }
0xa9: {  	[sflag:s10] =	ssyncset.done @p0 $0x0  }
0xaa: {  	[sflag:s10] =	ssyncadd.s32 @p0 $0xFFFFFF80  }
0xab: {  	_ =	swait.ge @p0 [sflag:s10], $0x80  }
0xac: {  	[sflag:s10] =	ssyncset.done @p0 $0x0  }
0xad: {  	[sflag:s10] =	ssyncadd.s32 @p0 $0xFFFFFF80  }
0xae: {  	s11 =	smul.u32 @!p0 $0x280, s1;
	_ =	swait.ge @p0 [sflag:s10], $0x10  }
0xaf: {  	[sflag:s10] =	ssyncset.done @p0 $0x0  }
0xb0: {  	[sflag:s10] =	ssyncadd.s32 @p0 $0xFFFFFFF0;
	s10 =	sshrl.u32 @!p0 s11, $0x3  }
0xb1: {  	s11 =	simm.s32 @!p0 $0x2800;
	s8 =	sadd.s32 @!p0 s8, s10;
	s10 =	simm.s32 @!p0 $0x0  }
0xb2: {  	[tilespmem:s11], [sflag:$0x1] =	stream.linear.gather @!p0 [hbm4b:s8+s10], $0x80, $0x38;
	[tilespmem:$0x3590] =	vst v63  }
0xb3: {  	s12 =	simm.s32 @!p0 $0x2880;
	s11 =	sadd.s32 @!p0 $0x10, s8  }
0xb4: {  	[tilespmem:s12], [sflag:$0x1] =	stream.linear.gather @!p0 [hbm4b:s11+s10], $0x80, $0x38;
	[tilespmem:$0x3590] =	vst v63  }
0xb5: {  	s11 =	sadd.s32 @!p0 $0x20, s8;
	s12 =	simm.s32 @!p0 $0x2900  }
0xb6: {  	[tilespmem:s12], [sflag:$0x1] =	stream.linear.gather @!p0 [hbm4b:s11+s10], $0x80, $0x38;
	[tilespmem:$0x3590] =	vst v63  }
0xb7: {  	s11 =	sadd.s32 @!p0 $0x30, s8;
	s12 =	simm.s32 @!p0 $0x2980  }
0xb8: {  	[tilespmem:s12], [sflag:$0x1] =	stream.linear.gather @!p0 [hbm4b:s11+s10], $0x80, $0x38;
	[tilespmem:$0x3590] =	vst v63  }
0xb9: {  	s8 =	sadd.s32 @!p0 $0x40, s8;
	s11 =	simm.s32 @!p0 $0x2A00  }
0xba: {  	[tilespmem:s11], [sflag:$0x1] =	stream.linear.gather @!p0 [hbm4b:s8+s10], $0x80, $0x38;
	[tilespmem:$0x3590] =	vst v63  }
0xbb: {  	s8 =	simm.s32 @!p0 $0x1  }
0xbc: {  	_ =	swait.ge @!p0 [sflag:s8], $0x80  }
0xbd: {  	[sflag:s8] =	ssyncset.done @!p0 $0x0  }
0xbe: {  	[sflag:s8] =	ssyncadd.s32 @!p0 $0xFFFFFF80  }
0xbf: {  	_ =	swait.ge @!p0 [sflag:s8], $0x80  }
0xc0: {  	[sflag:s8] =	ssyncset.done @!p0 $0x0  }
0xc1: {  	[sflag:s8] =	ssyncadd.s32 @!p0 $0xFFFFFF80  }
0xc2: {  	_ =	swait.ge @!p0 [sflag:s8], $0x80  }
0xc3: {  	[sflag:s8] =	ssyncset.done @!p0 $0x0  }
0xc4: {  	[sflag:s8] =	ssyncadd.s32 @!p0 $0xFFFFFF80  }
0xc5: {  	_ =	swait.ge @!p0 [sflag:s8], $0x80  }
0xc6: {  	[sflag:s8] =	ssyncset.done @!p0 $0x0  }
0xc7: {  	[sflag:s8] =	ssyncadd.s32 @!p0 $0xFFFFFF80  }
0xc8: {  	_ =	swait.ge @!p0 [sflag:s8], $0x80  }
0xc9: {  	[sflag:s8] =	ssyncset.done @!p0 $0x0  }
.Ltmp0:
0xca: {  	[sflag:s8] =	ssyncadd.s32 @!p0 $0xFFFFFF80;
	(pc) =	sbr.rel @!p0 .LBB2_1-.Ltmp0, $4  }
0xcb: {  	s8 =	simm.s32 $0x1;
	[bflag:$0x0] =	sbarrier.arrive $0xFFFF  }
0xcc: {  	_ =	swait.ge [sflag:s8], $0x2800  }
0xcd: {  	v0 =	vlaneseq.u32;
	[sflag:s8] =	ssyncset.done $0x0  }
0xce: {  	s7 =	sadd.s32 s7, s9;
	v0 =	vmul.u32 $0x10, v0;
	[sflag:s8] =	ssyncadd.s32 $0xFFFFD800  }
0xcf: {  	_ = 	snop  }
0xd0: {  	v1 =	vor.u32 $0xF01, v0  }
0xd1: {  	v2 =	vor.u32 $0x1001, v0  }
0xd2: {  	v3 =	vor.u32 $0x1101, v0  }
0xd3: {  	v4 =	vor.u32 $0x1201, v0  }
0xd4: {  	v5 =	vimm.f32 $1.000000000e+00;
	v6 =	vor.u32 $0x1301, v0  }
0xd5: {  	v44 =	vor.u32 $0x1401, v0;
	[tilespmem:v1+s4+$0x0] =	vst.idx.msk $0xffff, v5  }
0xd6: {  	v45 =	vor.u32 $0x1501, v0;
	[tilespmem:v2+s4+$0x0] =	vst.idx.msk $0xffff, v5  }
0xd7: {  	v46 =	vor.u32 $0x1601, v0;
	[tilespmem:v3+s4+$0x0] =	vst.idx.msk $0xffff, v5  }
0xd8: {  	v47 =	vor.u32 $0x1701, v0;
	[tilespmem:v4+s4+$0x0] =	vst.idx.msk $0xffff, v5  }
0xd9: {  	v48 =	vor.u32 $0x1801, v0;
	[tilespmem:v6+s4+$0x0] =	vst.idx.msk $0xffff, v5  }
0xda: {  	v49 =	vor.u32 $0x1901, v0;
	[tilespmem:v44+s4+$0x0] =	vst.idx.msk $0xffff, v5  }
0xdb: {  	v50 =	vor.u32 $0x1A01, v0;
	[tilespmem:v45+s4+$0x0] =	vst.idx.msk $0xffff, v5  }
0xdc: {  	v51 =	vor.u32 $0x1B01, v0;
	[tilespmem:v46+s4+$0x0] =	vst.idx.msk $0xffff, v5  }
0xdd: {  	v52 =	vor.u32 $0x1C01, v0;
	[tilespmem:v47+s4+$0x0] =	vst.idx.msk $0xffff, v5  }
0xde: {  	v53 =	vor.u32 $0x1D01, v0;
	[tilespmem:v48+s4+$0x0] =	vst.idx.msk $0xffff, v5  }
0xdf: {  	v54 =	vor.u32 $0x1E01, v0;
	[tilespmem:v49+s4+$0x0] =	vst.idx.msk $0xffff, v5  }
0xe0: {  	v55 =	vor.u32 $0x1F01, v0;
	[tilespmem:v50+s4+$0x0] =	vst.idx.msk $0xffff, v5  }
0xe1: {  	v56 =	vor.u32 $0x2001, v0;
	[tilespmem:v51+s4+$0x0] =	vst.idx.msk $0xffff, v5  }
0xe2: {  	v57 =	vor.u32 $0x2101, v0;
	[tilespmem:v52+s4+$0x0] =	vst.idx.msk $0xffff, v5  }
0xe3: {  	v58 =	vor.u32 $0x2201, v0;
	[tilespmem:v53+s4+$0x0] =	vst.idx.msk $0xffff, v5  }
0xe4: {  	v59 =	vor.u32 $0x2301, v0;
	[tilespmem:v54+s4+$0x0] =	vst.idx.msk $0xffff, v5  }
0xe5: {  	v60 =	vor.u32 $0x2401, v0;
	[tilespmem:v55+s4+$0x0] =	vst.idx.msk $0xffff, v5  }
0xe6: {  	v61 =	vor.u32 $0x2501, v0;
	[tilespmem:v56+s4+$0x0] =	vst.idx.msk $0xffff, v5  }
0xe7: {  	v62 =	vor.u32 $0x2601, v0;
	[tilespmem:v57+s4+$0x0] =	vst.idx.msk $0xffff, v5  }
0xe8: {  	v63 =	vor.u32 $0x2701, v0;
	[tilespmem:v58+s4+$0x0] =	vst.idx.msk $0xffff, v5  }
0xe9: {  	[tilespmem:v59+s4+$0x0] =	vst.idx.msk $0xffff, v5  }
0xea: {  	[tilespmem:v60+s4+$0x0] =	vst.idx.msk $0xffff, v5  }
0xeb: {  	[tilespmem:v61+s4+$0x0] =	vst.idx.msk $0xffff, v5  }
0xec: {  	[tilespmem:v62+s4+$0x0] =	vst.idx.msk $0xffff, v5  }
0xed: {  	s24 =	simm.s32 $0x2800;
	s9 =	simm.s32 $0xF00;
	[tilespmem:v63+s4+$0x0] =	vst.idx.msk $0xffff, v5  }
0xee: {  	[spmem:s2] =	stream.indirect.scatter.add.f32 [tilespmem:s9], [sflag:$0x1], $0x10, s24, s3, $0xb8;
	[tilespmem:$0x3590] =	vst v63  }
0xef: {  	s25 =	simm.s32 $0x2880;
	s26 =	simm.s32 $0x1700  }
0xf0: {  	[spmem:s2] =	stream.indirect.scatter.add.f32 [tilespmem:s26], [sflag:$0x1], $0x10, s25, s3, $0xb8;
	[tilespmem:$0x3590] =	vst v63  }
0xf1: {  	s28 =	simm.s32 $0x2900;
	s29 =	simm.s32 $0x1F00  }
0xf2: {  	[spmem:s2] =	stream.indirect.scatter.add.f32 [tilespmem:s29], [sflag:$0x1], $0x10, s28, s3, $0xb8;
	[tilespmem:$0x3590] =	vst v63  }
0xf3: {  	s30 =	simm.s32 $0x2A80;
	s31 =	simm.s32 $0x2700  }
0xf4: {  	[spmem:s2] =	stream.indirect.scatter.add.f32 [tilespmem:s31], [sflag:$0x1], $0x10, s30, s5, $0xb8;
	[tilespmem:$0x3590] =	vst v63  }
0xf5: {  	_ =	swait.ge [sflag:s8], $0x800  }
0xf6: {  	[sflag:s8] =	ssyncset.done $0x0  }
0xf7: {  	[sflag:s8] =	ssyncadd.s32 $0xFFFFF800  }
0xf8: {  	_ =	swait.ge [sflag:s8], $0x800  }
0xf9: {  	[sflag:s8] =	ssyncset.done $0x0  }
0xfa: {  	[sflag:s8] =	ssyncadd.s32 $0xFFFFF800  }
0xfb: {  	_ =	swait.ge [sflag:s8], $0x800  }
.Ltmp1:
0xfc: {  	[sflag:s8] =	ssyncset.done $0x0;
	(pc) =	sbr.rel .LBB2_3-.Ltmp1, $4  }
0xfd: {  	[sflag:s8] =	ssyncadd.s32 $0xFFFFF800  }
0xfe: {  	_ =	swait.ge [sflag:s8], $0x100  }
0xff: {  	[sflag:s8] =	ssyncset.done $0x0  }
0x100: {  	[sflag:s8] =	ssyncadd.s32 $0xFFFFFF00  }
.LBB2_1:
0x101: {  	_ = 	snop  }
0x102: {  	v1 =	vor.u32 $0x1, v0  }
0x103: {  	v2 =	vor.u32 $0x101, v0  }
0x104: {  	v3 =	vor.u32 $0x201, v0  }
0x105: {  	v4 =	vor.u32 $0x301, v0  }
0x106: {  	v5 =	vimm.f32 $1.000000000e+00;
	v6 =	vor.u32 $0x401, v0  }
0x107: {  	v29 =	vor.u32 $0x501, v0;
	[tilespmem:v1+s4+$0x0] =	vst.idx.msk $0xffff, v5  }
0x108: {  	v30 =	vor.u32 $0x601, v0;
	[tilespmem:v2+s4+$0x0] =	vst.idx.msk $0xffff, v5  }
0x109: {  	v31 =	vor.u32 $0x701, v0;
	[tilespmem:v3+s4+$0x0] =	vst.idx.msk $0xffff, v5  }
0x10a: {  	v32 =	vor.u32 $0x801, v0;
	[tilespmem:v4+s4+$0x0] =	vst.idx.msk $0xffff, v5  }
0x10b: {  	v33 =	vor.u32 $0x901, v0;
	[tilespmem:v6+s4+$0x0] =	vst.idx.msk $0xffff, v5  }
0x10c: {  	v34 =	vor.u32 $0xA01, v0;
	[tilespmem:v29+s4+$0x0] =	vst.idx.msk $0xffff, v5  }
0x10d: {  	v35 =	vor.u32 $0xB01, v0;
	[tilespmem:v30+s4+$0x0] =	vst.idx.msk $0xffff, v5  }
0x10e: {  	v36 =	vor.u32 $0xC01, v0;
	[tilespmem:v31+s4+$0x0] =	vst.idx.msk $0xffff, v5  }
0x10f: {  	v37 =	vor.u32 $0xD01, v0;
	[tilespmem:v32+s4+$0x0] =	vst.idx.msk $0xffff, v5  }
0x110: {  	v38 =	vor.u32 $0xE01, v0;
	[tilespmem:v33+s4+$0x0] =	vst.idx.msk $0xffff, v5  }
0x111: {  	v39 =	vor.u32 $0xF01, v0;
	[tilespmem:v34+s4+$0x0] =	vst.idx.msk $0xffff, v5  }
0x112: {  	v40 =	vor.u32 $0x1001, v0;
	[tilespmem:v35+s4+$0x0] =	vst.idx.msk $0xffff, v5  }
0x113: {  	v41 =	vor.u32 $0x1101, v0;
	[tilespmem:v36+s4+$0x0] =	vst.idx.msk $0xffff, v5  }
0x114: {  	v42 =	vor.u32 $0x1201, v0;
	[tilespmem:v37+s4+$0x0] =	vst.idx.msk $0xffff, v5  }
0x115: {  	v43 =	vor.u32 $0x1301, v0;
	[tilespmem:v38+s4+$0x0] =	vst.idx.msk $0xffff, v5  }
0x116: {  	v44 =	vor.u32 $0x1401, v0;
	[tilespmem:v39+s4+$0x0] =	vst.idx.msk $0xffff, v5  }
0x117: {  	v45 =	vor.u32 $0x1501, v0;
	[tilespmem:v40+s4+$0x0] =	vst.idx.msk $0xffff, v5  }
0x118: {  	v46 =	vor.u32 $0x1601, v0;
	[tilespmem:v41+s4+$0x0] =	vst.idx.msk $0xffff, v5  }
0x119: {  	v47 =	vor.u32 $0x1701, v0;
	[tilespmem:v42+s4+$0x0] =	vst.idx.msk $0xffff, v5  }
0x11a: {  	v48 =	vor.u32 $0x1801, v0;
	[tilespmem:v43+s4+$0x0] =	vst.idx.msk $0xffff, v5  }
0x11b: {  	v49 =	vor.u32 $0x1901, v0;
	[tilespmem:v44+s4+$0x0] =	vst.idx.msk $0xffff, v5  }
0x11c: {  	v50 =	vor.u32 $0x1A01, v0;
	[tilespmem:v45+s4+$0x0] =	vst.idx.msk $0xffff, v5  }
0x11d: {  	v51 =	vor.u32 $0x1B01, v0;
	[tilespmem:v46+s4+$0x0] =	vst.idx.msk $0xffff, v5  }
0x11e: {  	v52 =	vor.u32 $0x1C01, v0;
	[tilespmem:v47+s4+$0x0] =	vst.idx.msk $0xffff, v5  }
0x11f: {  	v53 =	vor.u32 $0x1D01, v0;
	[tilespmem:v48+s4+$0x0] =	vst.idx.msk $0xffff, v5  }
0x120: {  	v54 =	vor.u32 $0x1E01, v0;
	[tilespmem:v49+s4+$0x0] =	vst.idx.msk $0xffff, v5  }
0x121: {  	v55 =	vor.u32 $0x1F01, v0;
	[tilespmem:v50+s4+$0x0] =	vst.idx.msk $0xffff, v5  }
0x122: {  	v56 =	vor.u32 $0x2001, v0;
	[tilespmem:v51+s4+$0x0] =	vst.idx.msk $0xffff, v5  }
0x123: {  	v57 =	vor.u32 $0x2101, v0;
	[tilespmem:v52+s4+$0x0] =	vst.idx.msk $0xffff, v5  }
0x124: {  	v58 =	vor.u32 $0x2201, v0;
	[tilespmem:v53+s4+$0x0] =	vst.idx.msk $0xffff, v5  }
0x125: {  	v59 =	vor.u32 $0x2301, v0;
	[tilespmem:v54+s4+$0x0] =	vst.idx.msk $0xffff, v5  }
0x126: {  	v60 =	vor.u32 $0x2401, v0;
	[tilespmem:v55+s4+$0x0] =	vst.idx.msk $0xffff, v5  }
0x127: {  	v61 =	vor.u32 $0x2501, v0;
	[tilespmem:v56+s4+$0x0] =	vst.idx.msk $0xffff, v5  }
0x128: {  	v62 =	vor.u32 $0x2601, v0;
	[tilespmem:v57+s4+$0x0] =	vst.idx.msk $0xffff, v5  }
0x129: {  	v63 =	vor.u32 $0x2701, v0;
	[tilespmem:v58+s4+$0x0] =	vst.idx.msk $0xffff, v5  }
0x12a: {  	[tilespmem:v59+s4+$0x0] =	vst.idx.msk $0xffff, v5  }
0x12b: {  	[tilespmem:v60+s4+$0x0] =	vst.idx.msk $0xffff, v5  }
0x12c: {  	[tilespmem:v61+s4+$0x0] =	vst.idx.msk $0xffff, v5  }
0x12d: {  	[tilespmem:v62+s4+$0x0] =	vst.idx.msk $0xffff, v5  }
0x12e: {  	s5 =	simm.s32 $0x2800;
	[tilespmem:v63+s4+$0x0] =	vst.idx.msk $0xffff, v5  }
0x12f: {  	[spmem:s2] =	stream.indirect.scatter.add.f32 [tilespmem:s4], [sflag:$0x1], $0x10, s5, s3, $0xb8;
	[tilespmem:$0x3590] =	vst v63  }
0x130: {  	s23 =	simm.s32 $0x2880;
	s24 =	simm.s32 $0x800  }
0x131: {  	[spmem:s2] =	stream.indirect.scatter.add.f32 [tilespmem:s24], [sflag:$0x1], $0x10, s23, s3, $0xb8;
	[tilespmem:$0x3590] =	vst v63  }
0x132: {  	s25 =	simm.s32 $0x2900;
	s26 =	simm.s32 $0x1000  }
0x133: {  	[spmem:s2] =	stream.indirect.scatter.add.f32 [tilespmem:s26], [sflag:$0x1], $0x10, s25, s3, $0xb8;
	[tilespmem:$0x3590] =	vst v63  }
0x134: {  	s28 =	simm.s32 $0x2980;
	s29 =	simm.s32 $0x1800  }
0x135: {  	[spmem:s2] =	stream.indirect.scatter.add.f32 [tilespmem:s29], [sflag:$0x1], $0x10, s28, s3, $0xb8;
	[tilespmem:$0x3590] =	vst v63  }
0x136: {  	s30 =	simm.s32 $0x2A00;
	s31 =	simm.s32 $0x2000  }
0x137: {  	[spmem:s2] =	stream.indirect.scatter.add.f32 [tilespmem:s31], [sflag:$0x1], $0x10, s30, s3, $0xb8;
	[tilespmem:$0x3590] =	vst v63  }
0x138: {  	_ =	swait.ge [sflag:s8], $0x800  }
0x139: {  	[sflag:s8] =	ssyncset.done $0x0  }
0x13a: {  	[sflag:s8] =	ssyncadd.s32 $0xFFFFF800  }
0x13b: {  	_ =	swait.ge [sflag:s8], $0x800  }
0x13c: {  	[sflag:s8] =	ssyncset.done $0x0  }
0x13d: {  	[sflag:s8] =	ssyncadd.s32 $0xFFFFF800  }
0x13e: {  	_ =	swait.ge [sflag:s8], $0x800  }
0x13f: {  	[sflag:s8] =	ssyncset.done $0x0  }
0x140: {  	[sflag:s8] =	ssyncadd.s32 $0xFFFFF800  }
0x141: {  	_ =	swait.ge [sflag:s8], $0x800  }
0x142: {  	[sflag:s8] =	ssyncset.done $0x0  }
0x143: {  	[sflag:s8] =	ssyncadd.s32 $0xFFFFF800  }
0x144: {  	_ =	swait.ge [sflag:s8], $0x800  }
0x145: {  	[sflag:s8] =	ssyncset.done $0x0  }
0x146: {  	[sflag:s8] =	ssyncadd.s32 $0xFFFFF800  }
.LBB2_3:
0x147: {  	v0 =	vlaneseq.u32  }
0x148: {  	v1 =	vmul.u32 $0x10, v0;
	_ =	sdelay $0x1  }
0x149: {  	[bflag:$0x0] =	sbarrier.arrive $0xFFFF;
	s2 =	simm.s32 $0x2B90;
	s3 =	simm.s32 $0x2;
	v2 =	vor.u32 $0x1, v1  }
0x14a: {  	[tilespmem:s2], [sflag:$0x2] =	stream.linear.gather [spmem:s6], $0x100, $0x38;
	[tilespmem:$0x3590] =	vst v63  }
0x14b: {  	_ =	swait.ge [sflag:s3], $0x100  }
0x14c: {  	[sflag:s3] =	ssyncset.done $0x0  }
0x14d: {  	[sflag:s3] =	ssyncadd.s32 $0xFFFFFF00  }
0x14e: {  	v2 =	vld.idx.msk [tilespmem:v2+s2+$0x0], $0xffff;
	_ =	sdelay $0x4  }
0x14f: {  	v2 =	vadd.f32 $1.000000000e+00, v2;
	_ =	sdelay $0x1  }
0x150: {  	(erf) = vrcp.f32 v2;
	_ =	sdelay $0x4  }
0x151: {  	v1 =	vld.idx.msk [tilespmem:v1+s2+$0x0], $0xffff  }
0x152: {  	v0 =	vmul.u32 $0x80, v0;
	_ =	sdelay $0x2  }
0x153: {  	v2 =	vpop (erf)  }
0x154: {  	v1 =	vmul.f32 v2, v1  }
0x155: {  	s31 =	simm.s32 $0x2C90  }
0x156: {  	s4 =	simm.s32 $0x0;
	[tilespmem:v0+s31+$0x0] =	vst.idx.msk $0xffff, v1  }
0x157: {  	[hbm4b:s7+s4] =	stream.linear.scatter [tilespmem:s31], [sflag:$0x2], $0x800, $0x38;
	[tilespmem:$0x3590] =	vst v63  }
0x158: {  	_ =	swait.ge [sflag:s3], $0x800  }
0x159: {  	[sflag:s3] =	ssyncset.done $0x0  }
0x15a: {  	[sflag:s3] =	ssyncadd.s32 $0xFFFFF800  }
0x15b: {  	_ =	sfence.sel $0x180000  }
0x15c: {  	[bflag:$0x0] =	sbarrier.arrive $0xFFFF  }
0x15d: {  	p0 =	sne.s32 s1, $0x0;
	_ =	strace $0x90000047  }
0x15e: {  	s0 =	sadd.s32 @!p0 $0x100000, s0;
	[bflag:$0x2] =	sbarrier.arrive $0xFFFF  }
0x15f: {  	[sflag:s0] =	ssyncadd.tile.s32 @!p0 $0x1;
	_ =	shalt  }
.Lfunc_end2:
_tile_overlayer_lowered:
.L_overlay_start_2:
0x160: {  	(tag) =	ssettag $0x2  }
0x161: {  	s0 =	rddreg [dreg:$0x0];
	s2 =	stileid.u32  }
0x162: {  	s1 =	rddreg [dreg:$0x1];
	p0 =	sne.s32 s2, $0x0  }
0x163: {  	s3 =	rddreg [dreg:$0x2];
	[bflag:$0x3] =	sbarrier.arrive $0xFFFF;
	s2 =	simm.s32 @!p0 $0x1C02  }
0x164: {  	[timem:s3], [sflag:s2] =	dma.local @!p0 [hbm:s0], s1  }
0x165: {  	s0 =	simm.s32 @!p0 $0x2  }
0x166: {  	_ =	swait.ge @!p0 [sflag:s0], s1  }
0x167: {  	s1 =	ssub.s32 @!p0 $0x0, s1;
	[sflag:s0] =	ssyncset.done @!p0 $0x0  }
0x168: {  	[sflag:s0] =	ssyncadd.s32 @!p0 s1  }
0x169: {  	[bflag:$0x3] =	sbarrier.arrive $0xFFFF  }
0x16a: {  	_ =	shalt  }

</sc_bundles>
